<compile_context>
chip_gen: v7x
topology: tpu7x:2x2x1
jax: 0.10.2.dev20260603
libtpu: 0.0.44.dev20260713+nightly
codegen_flags: <defaults>
</compile_context>

<pallas_src>
import functools

import jax
import jax.numpy as jnp
from jax import lax
from jax.experimental import pallas as pl
from jax.experimental.pallas import tpu as pltpu
from jax.experimental.pallas import tpu_sc as plsc

N = 10000
E = 320000
D = 128
G = 64

NC = 2
NS = 16
HALF = 5120
GRP = 128
ACC_N = HALF + GRP
PAD_N = NC * HALF
E_PAD = 327680
EPS = E_PAD // NS
NGRP = EPS // GRP
NROW = E_PAD // GRP
ZROWS = ACC_N // NS
OROWS = HALF // NS
L = 16


def _sc_agg_body(src_hbm, dst_hbm, x_hbm, zrow_hbm, ones_hbm, zde_hbm,
                 agg_out, deg_out,
                 src_v, dst_v, rows0_v, rows1_v,
                 ones_v, zde_v, degbuf_v,
                 agg_sh, deg_sh, sem, dsem):
    c = lax.axis_index("c")
    s = lax.axis_index("s")
    base = c * HALF

    pltpu.sync_copy(zrow_hbm, rows0_v)
    pltpu.sync_copy(zde_hbm, zde_v)
    row0 = s * ZROWS
    nfull, rem = divmod(ZROWS, GRP)
    for k in range(nfull):
        pltpu.sync_copy(rows0_v, agg_sh.at[pl.ds(row0 + k * GRP, GRP)])
    if rem:
        pltpu.sync_copy(rows0_v.at[pl.ds(0, rem)],
                        agg_sh.at[pl.ds(row0 + nfull * GRP, rem)])
    pltpu.sync_copy(zde_v, deg_sh.at[pl.ds(row0, ZROWS)])

    g0 = s * NGRP
    pltpu.sync_copy(src_hbm.at[pl.ds(g0, NGRP)], src_v)
    pltpu.sync_copy(dst_hbm.at[pl.ds(g0, NGRP)], dst_v)
    pltpu.sync_copy(ones_hbm, ones_v)

    iota = lax.broadcasted_iota(jnp.int32, (L,), 0)

    def pre(g, carry):
        for l in range(GRP // L):
            dv = dst_v[g, pl.ds(l * L, L)]
            rel = dv - base
            inr = (rel >= 0) & (rel < HALF)
            trash = HALF + l * L + iota
            dst_v[g, pl.ds(l * L, L)] = jnp.where(inr, rel, trash)
        return carry

    lax.fori_loop(0, NGRP, pre, 0)

    plsc.subcore_barrier()

    pltpu.async_copy(x_hbm.at[src_v.at[0]], rows0_v, sem)
    pltpu.async_copy(x_hbm.at[src_v.at[1]], rows1_v, sem)

    def body(i, carry):
        gbase = i * 2
        for b, buf in enumerate((rows0_v, rows1_v)):
            g = gbase + b
            pltpu.make_async_copy(x_hbm.at[src_v.at[g]], buf, sem).wait()
            pltpu.sync_copy(buf, agg_sh.at[dst_v.at[g]], add=True)
            pltpu.async_copy(ones_v, deg_sh.at[dst_v.at[g]], dsem, add=True)
            nxt = g + 2

            @pl.when(nxt < NGRP)
            def _():
                pltpu.async_copy(x_hbm.at[src_v.at[nxt]], buf, sem)
        return carry

    lax.fori_loop(0, NGRP // 2, body, 0)

    def drain(g, carry):
        pltpu.make_async_copy(ones_v, deg_sh.at[dst_v.at[g]], dsem).wait()
        return carry

    lax.fori_loop(0, NGRP, drain, 0)
    plsc.subcore_barrier()

    o0 = s * OROWS
    pltpu.sync_copy(agg_sh.at[pl.ds(o0, OROWS)],
                    agg_out.at[c, pl.ds(o0, OROWS)])
    pltpu.sync_copy(deg_sh.at[pl.ds(o0, OROWS)], degbuf_v)
    pltpu.sync_copy(degbuf_v, deg_out.at[pl.ds(c * HALF + o0, OROWS)])


_sc_agg = functools.partial(
    pl.kernel,
    out_type=(pltpu.HBM((NC, HALF, D), jnp.float32),
              pltpu.HBM((PAD_N,), jnp.float32)),
    mesh=plsc.VectorSubcoreMesh(core_axis_name="c", subcore_axis_name="s"),
    scratch_types=[
        pltpu.VMEM((NGRP, GRP), jnp.int32),
        pltpu.VMEM((NGRP, GRP), jnp.int32),
        pltpu.VMEM((GRP, D), jnp.float32),
        pltpu.VMEM((GRP, D), jnp.float32),
        pltpu.VMEM((GRP,), jnp.float32),
        pltpu.VMEM((ZROWS,), jnp.float32),
        pltpu.VMEM((OROWS,), jnp.float32),
        pltpu.VMEM_SHARED((ACC_N, D), jnp.float32),
        pltpu.VMEM_SHARED((ACC_N,), jnp.float32),
        pltpu.SemaphoreType.DMA,
        pltpu.SemaphoreType.DMA,
    ],
)(_sc_agg_body)


BN = 640
NBLK = PAD_N // BN
BPC = HALF // BN


def _tc_pre_body(x_ref, ws_ref, out_ref):
    out_ref[...] = jnp.dot(x_ref[...], ws_ref[...],
                           preferred_element_type=jnp.float32)


_tc_pre = pl.pallas_call(
    _tc_pre_body,
    grid=(NBLK,),
    in_specs=[
        pl.BlockSpec((BN, D), lambda i: (i, 0)),
        pl.BlockSpec((D, D), lambda i: (0, 0)),
    ],
    out_specs=pl.BlockSpec((BN, D), lambda i: (i, 0)),
    out_shape=jax.ShapeDtypeStruct((PAD_N, D), jnp.float32),
)


def _tc_body(xw_ref, agg_ref, deg_ref, batch_ref,
             wn_ref, w0_ref, w1_ref, out_ref,
             pooled_acc, cnt_acc):
    i = pl.program_id(0)

    @pl.when(i == 0)
    def _():
        pooled_acc[...] = jnp.zeros_like(pooled_acc)
        cnt_acc[...] = jnp.zeros_like(cnt_acc)

    deg = jnp.maximum(deg_ref[...], 1.0)
    agg = agg_ref[0] / deg
    h = xw_ref[...] + jnp.dot(agg, wn_ref[...],
                              preferred_element_type=jnp.float32)
    h = jnp.maximum(h, 0.0)

    onehot = (batch_ref[...] ==
              lax.broadcasted_iota(jnp.int32, (BN, G), 1)).astype(jnp.float32)
    pooled_acc[...] += lax.dot_general(
        onehot, h, (((0,), (0,)), ((), ())),
        preferred_element_type=jnp.float32)
    cnt_acc[...] += jnp.sum(onehot, axis=0)[:, None]

    @pl.when(i == NBLK - 1)
    def _():
        pooled = pooled_acc[...] / jnp.maximum(cnt_acc[...], 1.0)
        mid = jnp.maximum(
            jnp.dot(pooled, w0_ref[...], preferred_element_type=jnp.float32),
            0.0)
        out_ref[...] = jnp.dot(mid, w1_ref[...],
                               preferred_element_type=jnp.float32)


_tc_call = pl.pallas_call(
    _tc_body,
    grid=(NBLK,),
    in_specs=[
        pl.BlockSpec((BN, D), lambda i: (i, 0)),
        pl.BlockSpec((1, BN, D), lambda i: (i // BPC, i % BPC, 0)),
        pl.BlockSpec((BN, 1), lambda i: (i, 0)),
        pl.BlockSpec((BN, 1), lambda i: (i, 0)),
        pl.BlockSpec((D, D), lambda i: (0, 0)),
        pl.BlockSpec((D, D), lambda i: (0, 0)),
        pl.BlockSpec((D, D), lambda i: (0, 0)),
    ],
    out_specs=pl.BlockSpec((G, D), lambda i: (0, 0)),
    out_shape=jax.ShapeDtypeStruct((G, D), jnp.float32),
    scratch_shapes=[
        pltpu.VMEM((G, D), jnp.float32),
        pltpu.VMEM((G, 1), jnp.float32),
    ],
)


def kernel(x, edge_index, batch, W_self, W_neigh, W0, W1):
    src = edge_index[0]
    dst = edge_index[1]
    pad = jnp.full((E_PAD - E,), N, jnp.int32)
    src_p = jnp.concatenate([src, pad]).reshape(NROW, GRP)
    dst_p = jnp.concatenate([dst, pad]).reshape(NROW, GRP)
    x_p = jnp.pad(x, ((0, PAD_N - N), (0, 0)))
    batch_p = jnp.pad(batch, (0, PAD_N - N), constant_values=G).reshape(
        PAD_N, 1)

    ones1 = jnp.ones((GRP,), jnp.float32)
    zrow = jnp.zeros((GRP, D), jnp.float32)
    zde = jnp.zeros((ZROWS,), jnp.float32)

    xw = _tc_pre(x_p, W_self)
    agg_parts, deg_parts = _sc_agg(src_p, dst_p, x_p, zrow, ones1, zde)

    deg3 = deg_parts.reshape(PAD_N, 1)
    return _tc_call(xw, agg_parts, deg3, batch_p,
                    W_neigh, W0, W1)

# --- scband reference (transcript-rebuilt; emitter-appended) ---
"""Pipeline reference for scband-base-message-passing-22668837388502 (READ-ONLY COPY).

The authoritative reference and input builder live on the scoring server;
editing this copy changes nothing except your own understanding.
"""

import jax, jax.numpy as jnp
import numpy as np

N = 10000
E = 320000
D = 128
G = 64


def setup_inputs(seed: int = 0) -> dict:
    key = jax.random.key(seed)
    k1, k2, k3, k4, k5, k6, k7 = jax.random.split(key, 7)
    x = jax.random.normal(k1, (N, D), dtype=jnp.float32)
    edge_index = jax.random.randint(k2, (2, E), 0, N, dtype=jnp.int32)
    batch = jnp.sort(jax.random.randint(k3, (N,), 0, G, dtype=jnp.int32))
    s = 1.0 / np.sqrt(D)
    W_self = jax.random.uniform(k4, (D, D), jnp.float32, -s, s)
    W_neigh = jax.random.uniform(k5, (D, D), jnp.float32, -s, s)
    W0 = jax.random.uniform(k6, (D, D), jnp.float32, -s, s)
    W1 = jax.random.uniform(k7, (D, D), jnp.float32, -s, s)
    return {"x": x, "edge_index": edge_index, "batch": batch,
            "W_self": W_self, "W_neigh": W_neigh, "W0": W0, "W1": W1}


def reference(x, edge_index, batch, W_self, W_neigh, W0, W1):
    src = edge_index[0]
    dst = edge_index[1]
    # message passing conv (SAGE-style mean aggregation): gather -> scatter-add -> normalize
    msgs = jnp.take(x, src, axis=0)
    agg = jax.ops.segment_sum(msgs, dst, num_segments=N)
    deg = jax.ops.segment_sum(jnp.ones((E,), x.dtype), dst, num_segments=N)
    agg = agg / jnp.clip(deg, 1.0)[:, None]
    h = jax.nn.relu(x @ W_self + agg @ W_neigh)
    # global mean pool over graphs in batch
    pooled = jax.ops.segment_sum(h, batch, num_segments=G)
    cnt = jax.ops.segment_sum(jnp.ones((N,), h.dtype), batch, num_segments=G)
    pooled = pooled / jnp.clip(cnt, 1.0)[:, None]
    # mlp: linear_0 (no bias) -> relu -> dropout (identity in eval) -> linear_1 (no bias)
    out = jax.nn.relu(pooled @ W0)
    out = out @ W1
    return out

if __name__ == "__main__":
    import jax
    _d = setup_inputs()
    print(jax.jit(kernel)(*tuple(_d.values())))

</pallas_src>

<mosaic_0001>
#map = affine_map<(d0, d1) -> (0, 0)>
#map1 = affine_map<(d0, d1) -> (0)>
#map2 = affine_map<(d0, d1) -> (0, 0, 0)>
module attributes {stable_mosaic.version = 14 : i64} {
  func.func @_sc_agg_body(%arg0: i32, %arg1: i32, %arg2: memref<2560x128xi32, #tpu.memory_space<hbm>>, %arg3: memref<2560x128xi32, #tpu.memory_space<hbm>>, %arg4: memref<10240x128xf32, #tpu.memory_space<hbm>>, %arg5: memref<128x128xf32, #tpu.memory_space<hbm>>, %arg6: memref<128xf32, #tpu.memory_space<hbm>>, %arg7: memref<328xf32, #tpu.memory_space<hbm>>, %arg8: memref<2x5120x128xf32, #tpu.memory_space<hbm>>, %arg9: memref<10240xf32, #tpu.memory_space<hbm>>, %arg10: memref<160x128xi32, #tpu.memory_space<vmem>>, %arg11: memref<160x128xi32, #tpu.memory_space<vmem>>, %arg12: memref<128x128xf32, #tpu.memory_space<vmem>>, %arg13: memref<128x128xf32, #tpu.memory_space<vmem>>, %arg14: memref<128xf32, #tpu.memory_space<vmem>>, %arg15: memref<328xf32, #tpu.memory_space<vmem>>, %arg16: memref<320xf32, #tpu.memory_space<vmem>>, %arg17: memref<5248x128xf32, #tpu.memory_space<vmem_shared>>, %arg18: memref<5248xf32, #tpu.memory_space<vmem_shared>>, %arg19: memref<!tpu.dma_semaphore, #tpu.memory_space<semaphore_mem>>, %arg20: memref<!tpu.dma_semaphore, #tpu.memory_space<semaphore_mem>>) attributes {dimension_semantics = [#tpu.dimension_semantics<core_parallel>, #tpu.dimension_semantics<subcore_parallel>], iteration_bounds = array<i64: 2, 16>, scalar_prefetch = 0 : i64, scratch_operands = 11 : i64, tpu.core_type = #tpu.core_type<sc_vector_subcore>, window_params = [{transform_indices = #map}, {transform_indices = #map}, {transform_indices = #map}, {transform_indices = #map}, {transform_indices = #map1}, {transform_indices = #map1}, {transform_indices = #map2}, {transform_indices = #map1}]} {
    %mul3A = arith.constant 5120 : i32
    %mul3A_0 = arith.muli %arg0, %mul3A : i32
    "tpu.region"() ({
      %run_scoped3A = tpu.sem_alloc : memref<!tpu.dma_semaphore, #tpu.memory_space<semaphore_mem>>
      tpu.enqueue_dma source(%arg5 : memref<128x128xf32, #tpu.memory_space<hbm>>) target(%arg12 : memref<128x128xf32, #tpu.memory_space<vmem>>) target_semaphore(%run_scoped3A : memref<!tpu.dma_semaphore, #tpu.memory_space<semaphore_mem>>)
      tpu.wait_dma2 semaphore(%run_scoped3A : memref<!tpu.dma_semaphore, #tpu.memory_space<semaphore_mem>>) src(%arg5 : memref<128x128xf32, #tpu.memory_space<hbm>>) dst(%arg12 : memref<128x128xf32, #tpu.memory_space<vmem>>)
      tpu.yield
    }) : () -> ()
    "tpu.region"() ({
      %run_scoped3A = tpu.sem_alloc : memref<!tpu.dma_semaphore, #tpu.memory_space<semaphore_mem>>
      tpu.enqueue_dma source(%arg7 : memref<328xf32, #tpu.memory_space<hbm>>) target(%arg15 : memref<328xf32, #tpu.memory_space<vmem>>) target_semaphore(%run_scoped3A : memref<!tpu.dma_semaphore, #tpu.memory_space<semaphore_mem>>)
      tpu.wait_dma2 semaphore(%run_scoped3A : memref<!tpu.dma_semaphore, #tpu.memory_space<semaphore_mem>>) src(%arg7 : memref<328xf32, #tpu.memory_space<hbm>>) dst(%arg15 : memref<328xf32, #tpu.memory_space<vmem>>)
      tpu.yield
    }) : () -> ()
    %mul3A_1 = arith.constant 328 : i32
    %mul3A_2 = arith.muli %arg1, %mul3A_1 : i32
    %add3A = arith.constant 0 : i32
    %add3A_3 = arith.addi %mul3A_2, %add3A : i32
    "tpu.region"() ({
      %run_scoped3A = tpu.sem_alloc : memref<!tpu.dma_semaphore, #tpu.memory_space<semaphore_mem>>
      %dma_start3A_46 = arith.constant 0 : i32
      %dma_start3A_47 = tpu.memref_slice %arg17[%add3A_3, %dma_start3A_46] : memref<5248x128xf32, #tpu.memory_space<vmem_shared>> -> memref<128x128xf32, #tpu.memory_space<vmem_shared>>
      %dma_start3A_48 = arith.constant 0 : i32
      %dma_start3A_49 = tpu.memref_slice %arg17[%add3A_3, %dma_start3A_48] : memref<5248x128xf32, #tpu.memory_space<vmem_shared>> -> memref<128x128xf32, #tpu.memory_space<vmem_shared>>
      tpu.enqueue_dma source(%arg12 : memref<128x128xf32, #tpu.memory_space<vmem>>) target(%dma_start3A_49 : memref<128x128xf32, #tpu.memory_space<vmem_shared>>) target_semaphore(%run_scoped3A : memref<!tpu.dma_semaphore, #tpu.memory_space<semaphore_mem>>)
      %dma_wait3A = arith.constant 0 : i32
      %dma_wait3A_50 = tpu.memref_slice %arg17[%add3A_3, %dma_wait3A] : memref<5248x128xf32, #tpu.memory_space<vmem_shared>> -> memref<128x128xf32, #tpu.memory_space<vmem_shared>>
      %dma_wait3A_51 = arith.constant 0 : i32
      %dma_wait3A_52 = tpu.memref_slice %arg17[%add3A_3, %dma_wait3A_51] : memref<5248x128xf32, #tpu.memory_space<vmem_shared>> -> memref<128x128xf32, #tpu.memory_space<vmem_shared>>
      tpu.wait_dma2 semaphore(%run_scoped3A : memref<!tpu.dma_semaphore, #tpu.memory_space<semaphore_mem>>) src(%arg12 : memref<128x128xf32, #tpu.memory_space<vmem>>) dst(%dma_wait3A_52 : memref<128x128xf32, #tpu.memory_space<vmem_shared>>)
      tpu.yield
    }) : () -> ()
    %add3A_4 = arith.constant 128 : i32
    %add3A_5 = arith.addi %mul3A_2, %add3A_4 : i32
    "tpu.region"() ({
      %run_scoped3A = tpu.sem_alloc : memref<!tpu.dma_semaphore, #tpu.memory_space<semaphore_mem>>
      %dma_start3A_46 = arith.constant 0 : i32
      %dma_start3A_47 = tpu.memref_slice %arg17[%add3A_5, %dma_start3A_46] : memref<5248x128xf32, #tpu.memory_space<vmem_shared>> -> memref<128x128xf32, #tpu.memory_space<vmem_shared>>
      %dma_start3A_48 = arith.constant 0 : i32
      %dma_start3A_49 = tpu.memref_slice %arg17[%add3A_5, %dma_start3A_48] : memref<5248x128xf32, #tpu.memory_space<vmem_shared>> -> memref<128x128xf32, #tpu.memory_space<vmem_shared>>
      tpu.enqueue_dma source(%arg12 : memref<128x128xf32, #tpu.memory_space<vmem>>) target(%dma_start3A_49 : memref<128x128xf32, #tpu.memory_space<vmem_shared>>) target_semaphore(%run_scoped3A : memref<!tpu.dma_semaphore, #tpu.memory_space<semaphore_mem>>)
      %dma_wait3A = arith.constant 0 : i32
      %dma_wait3A_50 = tpu.memref_slice %arg17[%add3A_5, %dma_wait3A] : memref<5248x128xf32, #tpu.memory_space<vmem_shared>> -> memref<128x128xf32, #tpu.memory_space<vmem_shared>>
      %dma_wait3A_51 = arith.constant 0 : i32
      %dma_wait3A_52 = tpu.memref_slice %arg17[%add3A_5, %dma_wait3A_51] : memref<5248x128xf32, #tpu.memory_space<vmem_shared>> -> memref<128x128xf32, #tpu.memory_space<vmem_shared>>
      tpu.wait_dma2 semaphore(%run_scoped3A : memref<!tpu.dma_semaphore, #tpu.memory_space<semaphore_mem>>) src(%arg12 : memref<128x128xf32, #tpu.memory_space<vmem>>) dst(%dma_wait3A_52 : memref<128x128xf32, #tpu.memory_space<vmem_shared>>)
      tpu.yield
    }) : () -> ()
    %add3A_6 = arith.constant 256 : i32
    %add3A_7 = arith.addi %mul3A_2, %add3A_6 : i32
    "tpu.region"() ({
      %run_scoped3A = tpu.sem_alloc : memref<!tpu.dma_semaphore, #tpu.memory_space<semaphore_mem>>
      %dma_start3A_46 = arith.constant 0 : i32
      %dma_start3A_47 = arith.constant 0 : i32
      %dma_start3A_48 = tpu.memref_slice %arg12[%dma_start3A_46, %dma_start3A_47] : memref<128x128xf32, #tpu.memory_space<vmem>> -> memref<72x128xf32, #tpu.memory_space<vmem>>
      %dma_start3A_49 = arith.constant 0 : i32
      %dma_start3A_50 = tpu.memref_slice %arg17[%add3A_7, %dma_start3A_49] : memref<5248x128xf32, #tpu.memory_space<vmem_shared>> -> memref<72x128xf32, #tpu.memory_space<vmem_shared>>
      %dma_start3A_51 = arith.constant 0 : i32
      %dma_start3A_52 = tpu.memref_slice %arg17[%add3A_7, %dma_start3A_51] : memref<5248x128xf32, #tpu.memory_space<vmem_shared>> -> memref<72x128xf32, #tpu.memory_space<vmem_shared>>
      %dma_start3A_53 = arith.constant 0 : i32
      %dma_start3A_54 = arith.constant 0 : i32
      %dma_start3A_55 = tpu.memref_slice %arg12[%dma_start3A_53, %dma_start3A_54] : memref<128x128xf32, #tpu.memory_space<vmem>> -> memref<72x128xf32, #tpu.memory_space<vmem>>
      tpu.enqueue_dma source(%dma_start3A_55 : memref<72x128xf32, #tpu.memory_space<vmem>>) target(%dma_start3A_52 : memref<72x128xf32, #tpu.memory_space<vmem_shared>>) target_semaphore(%run_scoped3A : memref<!tpu.dma_semaphore, #tpu.memory_space<semaphore_mem>>)
      %dma_wait3A = arith.constant 0 : i32
      %dma_wait3A_56 = arith.constant 0 : i32
      %dma_wait3A_57 = tpu.memref_slice %arg12[%dma_wait3A, %dma_wait3A_56] : memref<128x128xf32, #tpu.memory_space<vmem>> -> memref<72x128xf32, #tpu.memory_space<vmem>>
      %dma_wait3A_58 = arith.constant 0 : i32
      %dma_wait3A_59 = tpu.memref_slice %arg17[%add3A_7, %dma_wait3A_58] : memref<5248x128xf32, #tpu.memory_space<vmem_shared>> -> memref<72x128xf32, #tpu.memory_space<vmem_shared>>
      %dma_wait3A_60 = arith.constant 0 : i32
      %dma_wait3A_61 = tpu.memref_slice %arg17[%add3A_7, %dma_wait3A_60] : memref<5248x128xf32, #tpu.memory_space<vmem_shared>> -> memref<72x128xf32, #tpu.memory_space<vmem_shared>>
      %dma_wait3A_62 = arith.constant 0 : i32
      %dma_wait3A_63 = arith.constant 0 : i32
      %dma_wait3A_64 = tpu.memref_slice %arg12[%dma_wait3A_62, %dma_wait3A_63] : memref<128x128xf32, #tpu.memory_space<vmem>> -> memref<72x128xf32, #tpu.memory_space<vmem>>
      tpu.wait_dma2 semaphore(%run_scoped3A : memref<!tpu.dma_semaphore, #tpu.memory_space<semaphore_mem>>) src(%dma_wait3A_64 : memref<72x128xf32, #tpu.memory_space<vmem>>) dst(%dma_wait3A_61 : memref<72x128xf32, #tpu.memory_space<vmem_shared>>)
      tpu.yield
    }) : () -> ()
    "tpu.region"() ({
      %run_scoped3A = tpu.sem_alloc : memref<!tpu.dma_semaphore, #tpu.memory_space<semaphore_mem>>
      %dma_start3A_46 = tpu.memref_slice %arg18[%mul3A_2] : memref<5248xf32, #tpu.memory_space<vmem_shared>> -> memref<328xf32, #tpu.memory_space<vmem_shared>>
      %dma_start3A_47 = tpu.memref_slice %arg18[%mul3A_2] : memref<5248xf32, #tpu.memory_space<vmem_shared>> -> memref<328xf32, #tpu.memory_space<vmem_shared>>
      tpu.enqueue_dma source(%arg15 : memref<328xf32, #tpu.memory_space<vmem>>) target(%dma_start3A_47 : memref<328xf32, #tpu.memory_space<vmem_shared>>) target_semaphore(%run_scoped3A : memref<!tpu.dma_semaphore, #tpu.memory_space<semaphore_mem>>)
      %dma_wait3A = tpu.memref_slice %arg18[%mul3A_2] : memref<5248xf32, #tpu.memory_space<vmem_shared>> -> memref<328xf32, #tpu.memory_space<vmem_shared>>
      %dma_wait3A_48 = tpu.memref_slice %arg18[%mul3A_2] : memref<5248xf32, #tpu.memory_space<vmem_shared>> -> memref<328xf32, #tpu.memory_space<vmem_shared>>
      tpu.wait_dma2 semaphore(%run_scoped3A : memref<!tpu.dma_semaphore, #tpu.memory_space<semaphore_mem>>) src(%arg15 : memref<328xf32, #tpu.memory_space<vmem>>) dst(%dma_wait3A_48 : memref<328xf32, #tpu.memory_space<vmem_shared>>)
      tpu.yield
    }) : () -> ()
    %mul3A_8 = arith.constant 160 : i32
    %mul3A_9 = arith.muli %arg1, %mul3A_8 : i32
    "tpu.region"() ({
      %run_scoped3A = tpu.sem_alloc : memref<!tpu.dma_semaphore, #tpu.memory_space<semaphore_mem>>
      %dma_start3A_46 = arith.constant 0 : i32
      %dma_start3A_47 = tpu.memref_slice %arg2[%mul3A_9, %dma_start3A_46] : memref<2560x128xi32, #tpu.memory_space<hbm>> -> memref<160x128xi32, #tpu.memory_space<hbm>>
      %dma_start3A_48 = arith.constant 0 : i32
      %dma_start3A_49 = tpu.memref_slice %arg2[%mul3A_9, %dma_start3A_48] : memref<2560x128xi32, #tpu.memory_space<hbm>> -> memref<160x128xi32, #tpu.memory_space<hbm>>
      tpu.enqueue_dma source(%dma_start3A_49 : memref<160x128xi32, #tpu.memory_space<hbm>>) target(%arg10 : memref<160x128xi32, #tpu.memory_space<vmem>>) target_semaphore(%run_scoped3A : memref<!tpu.dma_semaphore, #tpu.memory_space<semaphore_mem>>)
      %dma_wait3A = arith.constant 0 : i32
      %dma_wait3A_50 = tpu.memref_slice %arg2[%mul3A_9, %dma_wait3A] : memref<2560x128xi32, #tpu.memory_space<hbm>> -> memref<160x128xi32, #tpu.memory_space<hbm>>
      %dma_wait3A_51 = arith.constant 0 : i32
      %dma_wait3A_52 = tpu.memref_slice %arg2[%mul3A_9, %dma_wait3A_51] : memref<2560x128xi32, #tpu.memory_space<hbm>> -> memref<160x128xi32, #tpu.memory_space<hbm>>
      tpu.wait_dma2 semaphore(%run_scoped3A : memref<!tpu.dma_semaphore, #tpu.memory_space<semaphore_mem>>) src(%dma_wait3A_52 : memref<160x128xi32, #tpu.memory_space<hbm>>) dst(%arg10 : memref<160x128xi32, #tpu.memory_space<vmem>>)
      tpu.yield
    }) : () -> ()
    "tpu.region"() ({
      %run_scoped3A = tpu.sem_alloc : memref<!tpu.dma_semaphore, #tpu.memory_space<semaphore_mem>>
      %dma_start3A_46 = arith.constant 0 : i32
      %dma_start3A_47 = tpu.memref_slice %arg3[%mul3A_9, %dma_start3A_46] : memref<2560x128xi32, #tpu.memory_space<hbm>> -> memref<160x128xi32, #tpu.memory_space<hbm>>
      %dma_start3A_48 = arith.constant 0 : i32
      %dma_start3A_49 = tpu.memref_slice %arg3[%mul3A_9, %dma_start3A_48] : memref<2560x128xi32, #tpu.memory_space<hbm>> -> memref<160x128xi32, #tpu.memory_space<hbm>>
      tpu.enqueue_dma source(%dma_start3A_49 : memref<160x128xi32, #tpu.memory_space<hbm>>) target(%arg11 : memref<160x128xi32, #tpu.memory_space<vmem>>) target_semaphore(%run_scoped3A : memref<!tpu.dma_semaphore, #tpu.memory_space<semaphore_mem>>)
      %dma_wait3A = arith.constant 0 : i32
      %dma_wait3A_50 = tpu.memref_slice %arg3[%mul3A_9, %dma_wait3A] : memref<2560x128xi32, #tpu.memory_space<hbm>> -> memref<160x128xi32, #tpu.memory_space<hbm>>
      %dma_wait3A_51 = arith.constant 0 : i32
      %dma_wait3A_52 = tpu.memref_slice %arg3[%mul3A_9, %dma_wait3A_51] : memref<2560x128xi32, #tpu.memory_space<hbm>> -> memref<160x128xi32, #tpu.memory_space<hbm>>
      tpu.wait_dma2 semaphore(%run_scoped3A : memref<!tpu.dma_semaphore, #tpu.memory_space<semaphore_mem>>) src(%dma_wait3A_52 : memref<160x128xi32, #tpu.memory_space<hbm>>) dst(%arg11 : memref<160x128xi32, #tpu.memory_space<vmem>>)
      tpu.yield
    }) : () -> ()
    "tpu.region"() ({
      %run_scoped3A = tpu.sem_alloc : memref<!tpu.dma_semaphore, #tpu.memory_space<semaphore_mem>>
      tpu.enqueue_dma source(%arg6 : memref<128xf32, #tpu.memory_space<hbm>>) target(%arg14 : memref<128xf32, #tpu.memory_space<vmem>>) target_semaphore(%run_scoped3A : memref<!tpu.dma_semaphore, #tpu.memory_space<semaphore_mem>>)
      tpu.wait_dma2 semaphore(%run_scoped3A : memref<!tpu.dma_semaphore, #tpu.memory_space<semaphore_mem>>) src(%arg6 : memref<128xf32, #tpu.memory_space<hbm>>) dst(%arg14 : memref<128xf32, #tpu.memory_space<vmem>>)
      tpu.yield
    }) : () -> ()
    %iota3A = tpu.iota {dimensions = array<i32: 0>} : vector<16xi32>
    %scan3A = arith.constant 0 : i32
    %scan3A_10 = arith.constant 0 : i32
    %scan3A_11 = arith.constant 160 : i32
    %scan3A_12 = arith.addi %scan3A_10, %scan3A_11 : i32
    %scan3A_13 = arith.constant 1 : i32
    scf.for %scan3A_46 = %scan3A_10 to %scan3A_12 step %scan3A_13  : i32 {
      %get3A = arith.index_cast %scan3A_46 : i32 to index
      %get3A_47 = arith.constant 0 : index
      %get3A_48 = tpu.vector_load %arg11[%get3A, %get3A_47] {strides = array<i32>} : memref<160x128xi32, #tpu.memory_space<vmem>>, vector<1x16xi32>,
      %get3A_49 = vector.shape_cast %get3A_48 : vector<1x16xi32> to vector<16xi32>
      %sub3A = vector.broadcast %mul3A_0 : i32 to vector<16xi32>
      %sub3A_50 = arith.subi %get3A_49, %sub3A : vector<16xi32>
      %ge3A = arith.constant 0 : i32
      %ge3A_51 = vector.broadcast %ge3A : i32 to vector<16xi32>
      %ge3A_52 = arith.cmpi sge, %sub3A_50, %ge3A_51 : vector<16xi32>
      %lt3A = arith.constant 5120 : i32
      %lt3A_53 = vector.broadcast %lt3A : i32 to vector<16xi32>
      %lt3A_54 = arith.cmpi slt, %sub3A_50, %lt3A_53 : vector<16xi32>
      %and3A = arith.andi %ge3A_52, %lt3A_54 : vector<16xi1>
      %add3A_55 = arith.constant 5120 : i32
      %add3A_56 = vector.broadcast %add3A_55 : i32 to vector<16xi32>
      %add3A_57 = arith.addi %add3A_56, %iota3A : vector<16xi32>
      %select_n3A = arith.select %and3A, %sub3A_50, %add3A_57 : vector<16xi1>, vector<16xi32>
      %swap3A = arith.index_cast %scan3A_46 : i32 to index
      %swap3A_58 = arith.constant 0 : index
      %swap3A_59 = tpu.vector_load %arg11[%swap3A, %swap3A_58] {strides = array<i32>} : memref<160x128xi32, #tpu.memory_space<vmem>>, vector<1x16xi32>,
      %swap3A_60 = vector.shape_cast %swap3A_59 : vector<1x16xi32> to vector<16xi32>
      %swap3A_61 = vector.shape_cast %select_n3A : vector<16xi32> to vector<1x16xi32>
      tpu.vector_store %arg11[%swap3A, %swap3A_58], %swap3A_61 {strides = array<i32>} : memref<160x128xi32, #tpu.memory_space<vmem>>, vector<1x16xi32>,
      %get3A_62 = arith.index_cast %scan3A_46 : i32 to index
      %get3A_63 = arith.constant 16 : index
      %get3A_64 = tpu.vector_load %arg11[%get3A_62, %get3A_63] {strides = array<i32>} : memref<160x128xi32, #tpu.memory_space<vmem>>, vector<1x16xi32>,
      %get3A_65 = vector.shape_cast %get3A_64 : vector<1x16xi32> to vector<16xi32>
      %sub3A_66 = vector.broadcast %mul3A_0 : i32 to vector<16xi32>
      %sub3A_67 = arith.subi %get3A_65, %sub3A_66 : vector<16xi32>
      %ge3A_68 = arith.constant 0 : i32
      %ge3A_69 = vector.broadcast %ge3A_68 : i32 to vector<16xi32>
      %ge3A_70 = arith.cmpi sge, %sub3A_67, %ge3A_69 : vector<16xi32>
      %lt3A_71 = arith.constant 5120 : i32
      %lt3A_72 = vector.broadcast %lt3A_71 : i32 to vector<16xi32>
      %lt3A_73 = arith.cmpi slt, %sub3A_67, %lt3A_72 : vector<16xi32>
      %and3A_74 = arith.andi %ge3A_70, %lt3A_73 : vector<16xi1>
      %add3A_75 = arith.constant 5136 : i32
      %add3A_76 = vector.broadcast %add3A_75 : i32 to vector<16xi32>
      %add3A_77 = arith.addi %add3A_76, %iota3A : vector<16xi32>
      %select_n3A_78 = arith.select %and3A_74, %sub3A_67, %add3A_77 : vector<16xi1>, vector<16xi32>
      %swap3A_79 = arith.index_cast %scan3A_46 : i32 to index
      %swap3A_80 = arith.constant 16 : index
      %swap3A_81 = tpu.vector_load %arg11[%swap3A_79, %swap3A_80] {strides = array<i32>} : memref<160x128xi32, #tpu.memory_space<vmem>>, vector<1x16xi32>,
      %swap3A_82 = vector.shape_cast %swap3A_81 : vector<1x16xi32> to vector<16xi32>
      %swap3A_83 = vector.shape_cast %select_n3A_78 : vector<16xi32> to vector<1x16xi32>
      tpu.vector_store %arg11[%swap3A_79, %swap3A_80], %swap3A_83 {strides = array<i32>} : memref<160x128xi32, #tpu.memory_space<vmem>>, vector<1x16xi32>,
      %get3A_84 = arith.index_cast %scan3A_46 : i32 to index
      %get3A_85 = arith.constant 32 : index
      %get3A_86 = tpu.vector_load %arg11[%get3A_84, %get3A_85] {strides = array<i32>} : memref<160x128xi32, #tpu.memory_space<vmem>>, vector<1x16xi32>,
      %get3A_87 = vector.shape_cast %get3A_86 : vector<1x16xi32> to vector<16xi32>
      %sub3A_88 = vector.broadcast %mul3A_0 : i32 to vector<16xi32>
      %sub3A_89 = arith.subi %get3A_87, %sub3A_88 : vector<16xi32>
      %ge3A_90 = arith.constant 0 : i32
      %ge3A_91 = vector.broadcast %ge3A_90 : i32 to vector<16xi32>
      %ge3A_92 = arith.cmpi sge, %sub3A_89, %ge3A_91 : vector<16xi32>
      %lt3A_93 = arith.constant 5120 : i32
      %lt3A_94 = vector.broadcast %lt3A_93 : i32 to vector<16xi32>
      %lt3A_95 = arith.cmpi slt, %sub3A_89, %lt3A_94 : vector<16xi32>
      %and3A_96 = arith.andi %ge3A_92, %lt3A_95 : vector<16xi1>
      %add3A_97 = arith.constant 5152 : i32
      %add3A_98 = vector.broadcast %add3A_97 : i32 to vector<16xi32>
      %add3A_99 = arith.addi %add3A_98, %iota3A : vector<16xi32>
      %select_n3A_100 = arith.select %and3A_96, %sub3A_89, %add3A_99 : vector<16xi1>, vector<16xi32>
      %swap3A_101 = arith.index_cast %scan3A_46 : i32 to index
      %swap3A_102 = arith.constant 32 : index
      %swap3A_103 = tpu.vector_load %arg11[%swap3A_101, %swap3A_102] {strides = array<i32>} : memref<160x128xi32, #tpu.memory_space<vmem>>, vector<1x16xi32>,
      %swap3A_104 = vector.shape_cast %swap3A_103 : vector<1x16xi32> to vector<16xi32>
      %swap3A_105 = vector.shape_cast %select_n3A_100 : vector<16xi32> to vector<1x16xi32>
      tpu.vector_store %arg11[%swap3A_101, %swap3A_102], %swap3A_105 {strides = array<i32>} : memref<160x128xi32, #tpu.memory_space<vmem>>, vector<1x16xi32>,
      %get3A_106 = arith.index_cast %scan3A_46 : i32 to index
      %get3A_107 = arith.constant 48 : index
      %get3A_108 = tpu.vector_load %arg11[%get3A_106, %get3A_107] {strides = array<i32>} : memref<160x128xi32, #tpu.memory_space<vmem>>, vector<1x16xi32>,
      %get3A_109 = vector.shape_cast %get3A_108 : vector<1x16xi32> to vector<16xi32>
      %sub3A_110 = vector.broadcast %mul3A_0 : i32 to vector<16xi32>
      %sub3A_111 = arith.subi %get3A_109, %sub3A_110 : vector<16xi32>
      %ge3A_112 = arith.constant 0 : i32
      %ge3A_113 = vector.broadcast %ge3A_112 : i32 to vector<16xi32>
      %ge3A_114 = arith.cmpi sge, %sub3A_111, %ge3A_113 : vector<16xi32>
      %lt3A_115 = arith.constant 5120 : i32
      %lt3A_116 = vector.broadcast %lt3A_115 : i32 to vector<16xi32>
      %lt3A_117 = arith.cmpi slt, %sub3A_111, %lt3A_116 : vector<16xi32>
      %and3A_118 = arith.andi %ge3A_114, %lt3A_117 : vector<16xi1>
      %add3A_119 = arith.constant 5168 : i32
      %add3A_120 = vector.broadcast %add3A_119 : i32 to vector<16xi32>
      %add3A_121 = arith.addi %add3A_120, %iota3A : vector<16xi32>
      %select_n3A_122 = arith.select %and3A_118, %sub3A_111, %add3A_121 : vector<16xi1>, vector<16xi32>
      %swap3A_123 = arith.index_cast %scan3A_46 : i32 to index
      %swap3A_124 = arith.constant 48 : index
      %swap3A_125 = tpu.vector_load %arg11[%swap3A_123, %swap3A_124] {strides = array<i32>} : memref<160x128xi32, #tpu.memory_space<vmem>>, vector<1x16xi32>,
      %swap3A_126 = vector.shape_cast %swap3A_125 : vector<1x16xi32> to vector<16xi32>
      %swap3A_127 = vector.shape_cast %select_n3A_122 : vector<16xi32> to vector<1x16xi32>
      tpu.vector_store %arg11[%swap3A_123, %swap3A_124], %swap3A_127 {strides = array<i32>} : memref<160x128xi32, #tpu.memory_space<vmem>>, vector<1x16xi32>,
      %get3A_128 = arith.index_cast %scan3A_46 : i32 to index
      %get3A_129 = arith.constant 64 : index
      %get3A_130 = tpu.vector_load %arg11[%get3A_128, %get3A_129] {strides = array<i32>} : memref<160x128xi32, #tpu.memory_space<vmem>>, vector<1x16xi32>,
      %get3A_131 = vector.shape_cast %get3A_130 : vector<1x16xi32> to vector<16xi32>
      %sub3A_132 = vector.broadcast %mul3A_0 : i32 to vector<16xi32>
      %sub3A_133 = arith.subi %get3A_131, %sub3A_132 : vector<16xi32>
      %ge3A_134 = arith.constant 0 : i32
      %ge3A_135 = vector.broadcast %ge3A_134 : i32 to vector<16xi32>
      %ge3A_136 = arith.cmpi sge, %sub3A_133, %ge3A_135 : vector<16xi32>
      %lt3A_137 = arith.constant 5120 : i32
      %lt3A_138 = vector.broadcast %lt3A_137 : i32 to vector<16xi32>
      %lt3A_139 = arith.cmpi slt, %sub3A_133, %lt3A_138 : vector<16xi32>
      %and3A_140 = arith.andi %ge3A_136, %lt3A_139 : vector<16xi1>
      %add3A_141 = arith.constant 5184 : i32
      %add3A_142 = vector.broadcast %add3A_141 : i32 to vector<16xi32>
      %add3A_143 = arith.addi %add3A_142, %iota3A : vector<16xi32>
      %select_n3A_144 = arith.select %and3A_140, %sub3A_133, %add3A_143 : vector<16xi1>, vector<16xi32>
      %swap3A_145 = arith.index_cast %scan3A_46 : i32 to index
      %swap3A_146 = arith.constant 64 : index
      %swap3A_147 = tpu.vector_load %arg11[%swap3A_145, %swap3A_146] {strides = array<i32>} : memref<160x128xi32, #tpu.memory_space<vmem>>, vector<1x16xi32>,
      %swap3A_148 = vector.shape_cast %swap3A_147 : vector<1x16xi32> to vector<16xi32>
      %swap3A_149 = vector.shape_cast %select_n3A_144 : vector<16xi32> to vector<1x16xi32>
      tpu.vector_store %arg11[%swap3A_145, %swap3A_146], %swap3A_149 {strides = array<i32>} : memref<160x128xi32, #tpu.memory_space<vmem>>, vector<1x16xi32>,
      %get3A_150 = arith.index_cast %scan3A_46 : i32 to index
      %get3A_151 = arith.constant 80 : index
      %get3A_152 = tpu.vector_load %arg11[%get3A_150, %get3A_151] {strides = array<i32>} : memref<160x128xi32, #tpu.memory_space<vmem>>, vector<1x16xi32>,
      %get3A_153 = vector.shape_cast %get3A_152 : vector<1x16xi32> to vector<16xi32>
      %sub3A_154 = vector.broadcast %mul3A_0 : i32 to vector<16xi32>
      %sub3A_155 = arith.subi %get3A_153, %sub3A_154 : vector<16xi32>
      %ge3A_156 = arith.constant 0 : i32
      %ge3A_157 = vector.broadcast %ge3A_156 : i32 to vector<16xi32>
      %ge3A_158 = arith.cmpi sge, %sub3A_155, %ge3A_157 : vector<16xi32>
      %lt3A_159 = arith.constant 5120 : i32
      %lt3A_160 = vector.broadcast %lt3A_159 : i32 to vector<16xi32>
      %lt3A_161 = arith.cmpi slt, %sub3A_155, %lt3A_160 : vector<16xi32>
      %and3A_162 = arith.andi %ge3A_158, %lt3A_161 : vector<16xi1>
      %add3A_163 = arith.constant 5200 : i32
      %add3A_164 = vector.broadcast %add3A_163 : i32 to vector<16xi32>
      %add3A_165 = arith.addi %add3A_164, %iota3A : vector<16xi32>
      %select_n3A_166 = arith.select %and3A_162, %sub3A_155, %add3A_165 : vector<16xi1>, vector<16xi32>
      %swap3A_167 = arith.index_cast %scan3A_46 : i32 to index
      %swap3A_168 = arith.constant 80 : index
      %swap3A_169 = tpu.vector_load %arg11[%swap3A_167, %swap3A_168] {strides = array<i32>} : memref<160x128xi32, #tpu.memory_space<vmem>>, vector<1x16xi32>,
      %swap3A_170 = vector.shape_cast %swap3A_169 : vector<1x16xi32> to vector<16xi32>
      %swap3A_171 = vector.shape_cast %select_n3A_166 : vector<16xi32> to vector<1x16xi32>
      tpu.vector_store %arg11[%swap3A_167, %swap3A_168], %swap3A_171 {strides = array<i32>} : memref<160x128xi32, #tpu.memory_space<vmem>>, vector<1x16xi32>,
      %get3A_172 = arith.index_cast %scan3A_46 : i32 to index
      %get3A_173 = arith.constant 96 : index
      %get3A_174 = tpu.vector_load %arg11[%get3A_172, %get3A_173] {strides = array<i32>} : memref<160x128xi32, #tpu.memory_space<vmem>>, vector<1x16xi32>,
      %get3A_175 = vector.shape_cast %get3A_174 : vector<1x16xi32> to vector<16xi32>
      %sub3A_176 = vector.broadcast %mul3A_0 : i32 to vector<16xi32>
      %sub3A_177 = arith.subi %get3A_175, %sub3A_176 : vector<16xi32>
      %ge3A_178 = arith.constant 0 : i32
      %ge3A_179 = vector.broadcast %ge3A_178 : i32 to vector<16xi32>
      %ge3A_180 = arith.cmpi sge, %sub3A_177, %ge3A_179 : vector<16xi32>
      %lt3A_181 = arith.constant 5120 : i32
      %lt3A_182 = vector.broadcast %lt3A_181 : i32 to vector<16xi32>
      %lt3A_183 = arith.cmpi slt, %sub3A_177, %lt3A_182 : vector<16xi32>
      %and3A_184 = arith.andi %ge3A_180, %lt3A_183 : vector<16xi1>
      %add3A_185 = arith.constant 5216 : i32
      %add3A_186 = vector.broadcast %add3A_185 : i32 to vector<16xi32>
      %add3A_187 = arith.addi %add3A_186, %iota3A : vector<16xi32>
      %select_n3A_188 = arith.select %and3A_184, %sub3A_177, %add3A_187 : vector<16xi1>, vector<16xi32>
      %swap3A_189 = arith.index_cast %scan3A_46 : i32 to index
      %swap3A_190 = arith.constant 96 : index
      %swap3A_191 = tpu.vector_load %arg11[%swap3A_189, %swap3A_190] {strides = array<i32>} : memref<160x128xi32, #tpu.memory_space<vmem>>, vector<1x16xi32>,
      %swap3A_192 = vector.shape_cast %swap3A_191 : vector<1x16xi32> to vector<16xi32>
      %swap3A_193 = vector.shape_cast %select_n3A_188 : vector<16xi32> to vector<1x16xi32>
      tpu.vector_store %arg11[%swap3A_189, %swap3A_190], %swap3A_193 {strides = array<i32>} : memref<160x128xi32, #tpu.memory_space<vmem>>, vector<1x16xi32>,
      %get3A_194 = arith.index_cast %scan3A_46 : i32 to index
      %get3A_195 = arith.constant 112 : index
      %get3A_196 = tpu.vector_load %arg11[%get3A_194, %get3A_195] {strides = array<i32>} : memref<160x128xi32, #tpu.memory_space<vmem>>, vector<1x16xi32>,
      %get3A_197 = vector.shape_cast %get3A_196 : vector<1x16xi32> to vector<16xi32>
      %sub3A_198 = vector.broadcast %mul3A_0 : i32 to vector<16xi32>
      %sub3A_199 = arith.subi %get3A_197, %sub3A_198 : vector<16xi32>
      %ge3A_200 = arith.constant 0 : i32
      %ge3A_201 = vector.broadcast %ge3A_200 : i32 to vector<16xi32>
      %ge3A_202 = arith.cmpi sge, %sub3A_199, %ge3A_201 : vector<16xi32>
      %lt3A_203 = arith.constant 5120 : i32
      %lt3A_204 = vector.broadcast %lt3A_203 : i32 to vector<16xi32>
      %lt3A_205 = arith.cmpi slt, %sub3A_199, %lt3A_204 : vector<16xi32>
      %and3A_206 = arith.andi %ge3A_202, %lt3A_205 : vector<16xi1>
      %add3A_207 = arith.constant 5232 : i32
      %add3A_208 = vector.broadcast %add3A_207 : i32 to vector<16xi32>
      %add3A_209 = arith.addi %add3A_208, %iota3A : vector<16xi32>
      %select_n3A_210 = arith.select %and3A_206, %sub3A_199, %add3A_209 : vector<16xi1>, vector<16xi32>
      %swap3A_211 = arith.index_cast %scan3A_46 : i32 to index
      %swap3A_212 = arith.constant 112 : index
      %swap3A_213 = tpu.vector_load %arg11[%swap3A_211, %swap3A_212] {strides = array<i32>} : memref<160x128xi32, #tpu.memory_space<vmem>>, vector<1x16xi32>,
      %swap3A_214 = vector.shape_cast %swap3A_213 : vector<1x16xi32> to vector<16xi32>
      %swap3A_215 = vector.shape_cast %select_n3A_210 : vector<16xi32> to vector<1x16xi32>
      tpu.vector_store %arg11[%swap3A_211, %swap3A_212], %swap3A_215 {strides = array<i32>} : memref<160x128xi32, #tpu.memory_space<vmem>>, vector<1x16xi32>,
    }
    %scan3A_14 = arith.constant 160 : i32
    %barrier3A = arith.constant 0 : index
    tpu.barrier barrier_id(%barrier3A)
    %dma_start3A = arith.constant 0 : i32
    %dma_start3A_15 = arith.constant 0 : i32
    %dma_start3A_16 = tpu.memref_slice %arg10[%dma_start3A, %dma_start3A_15] : memref<160x128xi32, #tpu.memory_space<vmem>> -> memref<1x128xi32, #tpu.memory_space<vmem>>
    %dma_start3A_17 = tpu.memref_squeeze %dma_start3A_16 : memref<1x128xi32, #tpu.memory_space<vmem>> -> memref<128xi32, #tpu.memory_space<vmem>>
    %dma_start3A_18 = arith.constant 0 : i32
    %dma_start3A_19 = arith.constant 0 : i32
    %dma_start3A_20 = tpu.memref_slice %arg4[%dma_start3A_18, %dma_start3A_19] : memref<10240x128xf32, #tpu.memory_space<hbm>> -> memref<10240x128xf32, #tpu.memory_space<hbm>>
    tpu.enqueue_indirect_dma source(%dma_start3A_20 : memref<10240x128xf32, #tpu.memory_space<hbm>>) target(%arg12 : memref<128x128xf32, #tpu.memory_space<vmem>>) offsets(%dma_start3A_17 : memref<128xi32, #tpu.memory_space<vmem>>) semaphore(%arg19 : memref<!tpu.dma_semaphore, #tpu.memory_space<semaphore_mem>>)
    %dma_start3A_21 = arith.constant 1 : i32
    %dma_start3A_22 = arith.constant 0 : i32
    %dma_start3A_23 = tpu.memref_slice %arg10[%dma_start3A_21, %dma_start3A_22] : memref<160x128xi32, #tpu.memory_space<vmem>> -> memref<1x128xi32, #tpu.memory_space<vmem>>
    %dma_start3A_24 = tpu.memref_squeeze %dma_start3A_23 : memref<1x128xi32, #tpu.memory_space<vmem>> -> memref<128xi32, #tpu.memory_space<vmem>>
    %dma_start3A_25 = arith.constant 0 : i32
    %dma_start3A_26 = arith.constant 0 : i32
    %dma_start3A_27 = tpu.memref_slice %arg4[%dma_start3A_25, %dma_start3A_26] : memref<10240x128xf32, #tpu.memory_space<hbm>> -> memref<10240x128xf32, #tpu.memory_space<hbm>>
    tpu.enqueue_indirect_dma source(%dma_start3A_27 : memref<10240x128xf32, #tpu.memory_space<hbm>>) target(%arg13 : memref<128x128xf32, #tpu.memory_space<vmem>>) offsets(%dma_start3A_24 : memref<128xi32, #tpu.memory_space<vmem>>) semaphore(%arg19 : memref<!tpu.dma_semaphore, #tpu.memory_space<semaphore_mem>>)
    %scan3A_28 = arith.constant 0 : i32
    %scan3A_29 = arith.constant 0 : i32
    %scan3A_30 = arith.constant 80 : i32
    %scan3A_31 = arith.addi %scan3A_29, %scan3A_30 : i32
    %scan3A_32 = arith.constant 1 : i32
    scf.for %scan3A_46 = %scan3A_29 to %scan3A_31 step %scan3A_32  : i32 {
      %mul3A_47 = arith.constant 2 : i32
      %mul3A_48 = arith.muli %scan3A_46, %mul3A_47 : i32
      %add3A_49 = arith.constant 0 : i32
      %add3A_50 = arith.addi %mul3A_48, %add3A_49 : i32
      %dma_wait3A = arith.constant 0 : i32
      %dma_wait3A_51 = tpu.memref_slice %arg10[%add3A_50, %dma_wait3A] : memref<160x128xi32, #tpu.memory_space<vmem>> -> memref<1x128xi32, #tpu.memory_space<vmem>>
      %dma_wait3A_52 = tpu.memref_squeeze %dma_wait3A_51 : memref<1x128xi32, #tpu.memory_space<vmem>> -> memref<128xi32, #tpu.memory_space<vmem>>
      %dma_wait3A_53 = arith.constant 0 : i32
      %dma_wait3A_54 = arith.constant 0 : i32
      %dma_wait3A_55 = tpu.memref_slice %arg4[%dma_wait3A_53, %dma_wait3A_54] : memref<10240x128xf32, #tpu.memory_space<hbm>> -> memref<10240x128xf32, #tpu.memory_space<hbm>>
      tpu.wait_indirect_dma semaphore(%arg19 : memref<!tpu.dma_semaphore, #tpu.memory_space<semaphore_mem>>) src(%dma_wait3A_55 : memref<10240x128xf32, #tpu.memory_space<hbm>>) dst(%arg12 : memref<128x128xf32, #tpu.memory_space<vmem>>)
      "tpu.region"() ({
        %run_scoped3A = tpu.sem_alloc : memref<!tpu.dma_semaphore, #tpu.memory_space<semaphore_mem>>
        %dma_start3A_85 = arith.constant 0 : i32
        %dma_start3A_86 = tpu.memref_slice %arg11[%add3A_50, %dma_start3A_85] : memref<160x128xi32, #tpu.memory_space<vmem>> -> memref<1x128xi32, #tpu.memory_space<vmem>>
        %dma_start3A_87 = tpu.memref_squeeze %dma_start3A_86 : memref<1x128xi32, #tpu.memory_space<vmem>> -> memref<128xi32, #tpu.memory_space<vmem>>
        %dma_start3A_88 = arith.constant 0 : i32
        %dma_start3A_89 = arith.constant 0 : i32
        %dma_start3A_90 = tpu.memref_slice %arg17[%dma_start3A_88, %dma_start3A_89] : memref<5248x128xf32, #tpu.memory_space<vmem_shared>> -> memref<5248x128xf32, #tpu.memory_space<vmem_shared>>
        tpu.enqueue_indirect_dma source(%arg12 : memref<128x128xf32, #tpu.memory_space<vmem>>) target(%dma_start3A_90 : memref<5248x128xf32, #tpu.memory_space<vmem_shared>>) offsets(%dma_start3A_87 : memref<128xi32, #tpu.memory_space<vmem>>) semaphore(%run_scoped3A : memref<!tpu.dma_semaphore, #tpu.memory_space<semaphore_mem>>) {add = true}
        %dma_wait3A_91 = arith.constant 0 : i32
        %dma_wait3A_92 = tpu.memref_slice %arg11[%add3A_50, %dma_wait3A_91] : memref<160x128xi32, #tpu.memory_space<vmem>> -> memref<1x128xi32, #tpu.memory_space<vmem>>
        %dma_wait3A_93 = tpu.memref_squeeze %dma_wait3A_92 : memref<1x128xi32, #tpu.memory_space<vmem>> -> memref<128xi32, #tpu.memory_space<vmem>>
        %dma_wait3A_94 = arith.constant 0 : i32
        %dma_wait3A_95 = arith.constant 0 : i32
        %dma_wait3A_96 = tpu.memref_slice %arg17[%dma_wait3A_94, %dma_wait3A_95] : memref<5248x128xf32, #tpu.memory_space<vmem_shared>> -> memref<5248x128xf32, #tpu.memory_space<vmem_shared>>
        tpu.wait_indirect_dma semaphore(%run_scoped3A : memref<!tpu.dma_semaphore, #tpu.memory_space<semaphore_mem>>) src(%arg12 : memref<128x128xf32, #tpu.memory_space<vmem>>) dst(%dma_wait3A_96 : memref<5248x128xf32, #tpu.memory_space<vmem_shared>>)
        tpu.yield
      }) : () -> ()
      %dma_start3A_56 = arith.constant 0 : i32
      %dma_start3A_57 = tpu.memref_slice %arg11[%add3A_50, %dma_start3A_56] : memref<160x128xi32, #tpu.memory_space<vmem>> -> memref<1x128xi32, #tpu.memory_space<vmem>>
      %dma_start3A_58 = tpu.memref_squeeze %dma_start3A_57 : memref<1x128xi32, #tpu.memory_space<vmem>> -> memref<128xi32, #tpu.memory_space<vmem>>
      %dma_start3A_59 = arith.constant 0 : i32
      %dma_start3A_60 = tpu.memref_slice %arg18[%dma_start3A_59] : memref<5248xf32, #tpu.memory_space<vmem_shared>> -> memref<5248xf32, #tpu.memory_space<vmem_shared>>
      tpu.enqueue_indirect_dma source(%arg14 : memref<128xf32, #tpu.memory_space<vmem>>) target(%dma_start3A_60 : memref<5248xf32, #tpu.memory_space<vmem_shared>>) offsets(%dma_start3A_58 : memref<128xi32, #tpu.memory_space<vmem>>) semaphore(%arg20 : memref<!tpu.dma_semaphore, #tpu.memory_space<semaphore_mem>>) {add = true}
      %add3A_61 = arith.constant 2 : i32
      %add3A_62 = arith.addi %add3A_50, %add3A_61 : i32
      %lt3A = arith.constant 160 : i32
      %lt3A_63 = arith.cmpi slt, %add3A_62, %lt3A : i32
      %convert_element_type3A = arith.extui %lt3A_63 : i1 to i32
      %cond3A = arith.constant 0 : i32
      %cond3A_64 = arith.cmpi ne, %convert_element_type3A, %cond3A : i32
      scf.if %cond3A_64 {
        %dma_start3A_85 = arith.constant 0 : i32
        %dma_start3A_86 = tpu.memref_slice %arg10[%add3A_62, %dma_start3A_85] : memref<160x128xi32, #tpu.memory_space<vmem>> -> memref<1x128xi32, #tpu.memory_space<vmem>>
        %dma_start3A_87 = tpu.memref_squeeze %dma_start3A_86 : memref<1x128xi32, #tpu.memory_space<vmem>> -> memref<128xi32, #tpu.memory_space<vmem>>
        %dma_start3A_88 = arith.constant 0 : i32
        %dma_start3A_89 = arith.constant 0 : i32
        %dma_start3A_90 = tpu.memref_slice %arg4[%dma_start3A_88, %dma_start3A_89] : memref<10240x128xf32, #tpu.memory_space<hbm>> -> memref<10240x128xf32, #tpu.memory_space<hbm>>
        tpu.enqueue_indirect_dma source(%dma_start3A_90 : memref<10240x128xf32, #tpu.memory_space<hbm>>) target(%arg12 : memref<128x128xf32, #tpu.memory_space<vmem>>) offsets(%dma_start3A_87 : memref<128xi32, #tpu.memory_space<vmem>>) semaphore(%arg19 : memref<!tpu.dma_semaphore, #tpu.memory_space<semaphore_mem>>)
      } else {
      }
      %add3A_65 = arith.constant 1 : i32
      %add3A_66 = arith.addi %mul3A_48, %add3A_65 : i32
      %dma_wait3A_67 = arith.constant 0 : i32
      %dma_wait3A_68 = tpu.memref_slice %arg10[%add3A_66, %dma_wait3A_67] : memref<160x128xi32, #tpu.memory_space<vmem>> -> memref<1x128xi32, #tpu.memory_space<vmem>>
      %dma_wait3A_69 = tpu.memref_squeeze %dma_wait3A_68 : memref<1x128xi32, #tpu.memory_space<vmem>> -> memref<128xi32, #tpu.memory_space<vmem>>
      %dma_wait3A_70 = arith.constant 0 : i32
      %dma_wait3A_71 = arith.constant 0 : i32
      %dma_wait3A_72 = tpu.memref_slice %arg4[%dma_wait3A_70, %dma_wait3A_71] : memref<10240x128xf32, #tpu.memory_space<hbm>> -> memref<10240x128xf32, #tpu.memory_space<hbm>>
      tpu.wait_indirect_dma semaphore(%arg19 : memref<!tpu.dma_semaphore, #tpu.memory_space<semaphore_mem>>) src(%dma_wait3A_72 : memref<10240x128xf32, #tpu.memory_space<hbm>>) dst(%arg13 : memref<128x128xf32, #tpu.memory_space<vmem>>)
      "tpu.region"() ({
        %run_scoped3A = tpu.sem_alloc : memref<!tpu.dma_semaphore, #tpu.memory_space<semaphore_mem>>
        %dma_start3A_85 = arith.constant 0 : i32
        %dma_start3A_86 = tpu.memref_slice %arg11[%add3A_66, %dma_start3A_85] : memref<160x128xi32, #tpu.memory_space<vmem>> -> memref<1x128xi32, #tpu.memory_space<vmem>>
        %dma_start3A_87 = tpu.memref_squeeze %dma_start3A_86 : memref<1x128xi32, #tpu.memory_space<vmem>> -> memref<128xi32, #tpu.memory_space<vmem>>
        %dma_start3A_88 = arith.constant 0 : i32
        %dma_start3A_89 = arith.constant 0 : i32
        %dma_start3A_90 = tpu.memref_slice %arg17[%dma_start3A_88, %dma_start3A_89] : memref<5248x128xf32, #tpu.memory_space<vmem_shared>> -> memref<5248x128xf32, #tpu.memory_space<vmem_shared>>
        tpu.enqueue_indirect_dma source(%arg13 : memref<128x128xf32, #tpu.memory_space<vmem>>) target(%dma_start3A_90 : memref<5248x128xf32, #tpu.memory_space<vmem_shared>>) offsets(%dma_start3A_87 : memref<128xi32, #tpu.memory_space<vmem>>) semaphore(%run_scoped3A : memref<!tpu.dma_semaphore, #tpu.memory_space<semaphore_mem>>) {add = true}
        %dma_wait3A_91 = arith.constant 0 : i32
        %dma_wait3A_92 = tpu.memref_slice %arg11[%add3A_66, %dma_wait3A_91] : memref<160x128xi32, #tpu.memory_space<vmem>> -> memref<1x128xi32, #tpu.memory_space<vmem>>
        %dma_wait3A_93 = tpu.memref_squeeze %dma_wait3A_92 : memref<1x128xi32, #tpu.memory_space<vmem>> -> memref<128xi32, #tpu.memory_space<vmem>>
        %dma_wait3A_94 = arith.constant 0 : i32
        %dma_wait3A_95 = arith.constant 0 : i32
        %dma_wait3A_96 = tpu.memref_slice %arg17[%dma_wait3A_94, %dma_wait3A_95] : memref<5248x128xf32, #tpu.memory_space<vmem_shared>> -> memref<5248x128xf32, #tpu.memory_space<vmem_shared>>
        tpu.wait_indirect_dma semaphore(%run_scoped3A : memref<!tpu.dma_semaphore, #tpu.memory_space<semaphore_mem>>) src(%arg13 : memref<128x128xf32, #tpu.memory_space<vmem>>) dst(%dma_wait3A_96 : memref<5248x128xf32, #tpu.memory_space<vmem_shared>>)
        tpu.yield
      }) : () -> ()
      %dma_start3A_73 = arith.constant 0 : i32
      %dma_start3A_74 = tpu.memref_slice %arg11[%add3A_66, %dma_start3A_73] : memref<160x128xi32, #tpu.memory_space<vmem>> -> memref<1x128xi32, #tpu.memory_space<vmem>>
      %dma_start3A_75 = tpu.memref_squeeze %dma_start3A_74 : memref<1x128xi32, #tpu.memory_space<vmem>> -> memref<128xi32, #tpu.memory_space<vmem>>
      %dma_start3A_76 = arith.constant 0 : i32
      %dma_start3A_77 = tpu.memref_slice %arg18[%dma_start3A_76] : memref<5248xf32, #tpu.memory_space<vmem_shared>> -> memref<5248xf32, #tpu.memory_space<vmem_shared>>
      tpu.enqueue_indirect_dma source(%arg14 : memref<128xf32, #tpu.memory_space<vmem>>) target(%dma_start3A_77 : memref<5248xf32, #tpu.memory_space<vmem_shared>>) offsets(%dma_start3A_75 : memref<128xi32, #tpu.memory_space<vmem>>) semaphore(%arg20 : memref<!tpu.dma_semaphore, #tpu.memory_space<semaphore_mem>>) {add = true}
      %add3A_78 = arith.constant 2 : i32
      %add3A_79 = arith.addi %add3A_66, %add3A_78 : i32
      %lt3A_80 = arith.constant 160 : i32
      %lt3A_81 = arith.cmpi slt, %add3A_79, %lt3A_80 : i32
      %convert_element_type3A_82 = arith.extui %lt3A_81 : i1 to i32
      %cond3A_83 = arith.constant 0 : i32
      %cond3A_84 = arith.cmpi ne, %convert_element_type3A_82, %cond3A_83 : i32
      scf.if %cond3A_84 {
        %dma_start3A_85 = arith.constant 0 : i32
        %dma_start3A_86 = tpu.memref_slice %arg10[%add3A_79, %dma_start3A_85] : memref<160x128xi32, #tpu.memory_space<vmem>> -> memref<1x128xi32, #tpu.memory_space<vmem>>
        %dma_start3A_87 = tpu.memref_squeeze %dma_start3A_86 : memref<1x128xi32, #tpu.memory_space<vmem>> -> memref<128xi32, #tpu.memory_space<vmem>>
        %dma_start3A_88 = arith.constant 0 : i32
        %dma_start3A_89 = arith.constant 0 : i32
        %dma_start3A_90 = tpu.memref_slice %arg4[%dma_start3A_88, %dma_start3A_89] : memref<10240x128xf32, #tpu.memory_space<hbm>> -> memref<10240x128xf32, #tpu.memory_space<hbm>>
        tpu.enqueue_indirect_dma source(%dma_start3A_90 : memref<10240x128xf32, #tpu.memory_space<hbm>>) target(%arg13 : memref<128x128xf32, #tpu.memory_space<vmem>>) offsets(%dma_start3A_87 : memref<128xi32, #tpu.memory_space<vmem>>) semaphore(%arg19 : memref<!tpu.dma_semaphore, #tpu.memory_space<semaphore_mem>>)
      } else {
      }
    }
    %scan3A_33 = arith.constant 80 : i32
    %scan3A_34 = arith.constant 0 : i32
    %scan3A_35 = arith.constant 0 : i32
    %scan3A_36 = arith.constant 160 : i32
    %scan3A_37 = arith.addi %scan3A_35, %scan3A_36 : i32
    %scan3A_38 = arith.constant 1 : i32
    scf.for %scan3A_46 = %scan3A_35 to %scan3A_37 step %scan3A_38  : i32 {
      %dma_wait3A = arith.constant 0 : i32
      %dma_wait3A_47 = tpu.memref_slice %arg11[%scan3A_46, %dma_wait3A] : memref<160x128xi32, #tpu.memory_space<vmem>> -> memref<1x128xi32, #tpu.memory_space<vmem>>
      %dma_wait3A_48 = tpu.memref_squeeze %dma_wait3A_47 : memref<1x128xi32, #tpu.memory_space<vmem>> -> memref<128xi32, #tpu.memory_space<vmem>>
      %dma_wait3A_49 = arith.constant 0 : i32
      %dma_wait3A_50 = tpu.memref_slice %arg18[%dma_wait3A_49] : memref<5248xf32, #tpu.memory_space<vmem_shared>> -> memref<5248xf32, #tpu.memory_space<vmem_shared>>
      tpu.wait_indirect_dma semaphore(%arg20 : memref<!tpu.dma_semaphore, #tpu.memory_space<semaphore_mem>>) src(%arg14 : memref<128xf32, #tpu.memory_space<vmem>>) dst(%dma_wait3A_50 : memref<5248xf32, #tpu.memory_space<vmem_shared>>)
    }
    %scan3A_39 = arith.constant 160 : i32
    %barrier3A_40 = arith.constant 0 : index
    tpu.barrier barrier_id(%barrier3A_40)
    %mul3A_41 = arith.constant 320 : i32
    %mul3A_42 = arith.muli %arg1, %mul3A_41 : i32
    "tpu.region"() ({
      %run_scoped3A = tpu.sem_alloc : memref<!tpu.dma_semaphore, #tpu.memory_space<semaphore_mem>>
      %dma_start3A_46 = arith.constant 0 : i32
      %dma_start3A_47 = tpu.memref_slice %arg8[%arg0, %mul3A_42, %dma_start3A_46] : memref<2x5120x128xf32, #tpu.memory_space<hbm>> -> memref<1x320x128xf32, #tpu.memory_space<hbm>>
      %dma_start3A_48 = tpu.memref_squeeze %dma_start3A_47 : memref<1x320x128xf32, #tpu.memory_space<hbm>> -> memref<320x128xf32, #tpu.memory_space<hbm>>
      %dma_start3A_49 = arith.constant 0 : i32
      %dma_start3A_50 = tpu.memref_slice %arg17[%mul3A_42, %dma_start3A_49] : memref<5248x128xf32, #tpu.memory_space<vmem_shared>> -> memref<320x128xf32, #tpu.memory_space<vmem_shared>>
      tpu.enqueue_dma source(%dma_start3A_50 : memref<320x128xf32, #tpu.memory_space<vmem_shared>>) target(%dma_start3A_48 : memref<320x128xf32, #tpu.memory_space<hbm>>) target_semaphore(%run_scoped3A : memref<!tpu.dma_semaphore, #tpu.memory_space<semaphore_mem>>)
      %dma_wait3A = arith.constant 0 : i32
      %dma_wait3A_51 = tpu.memref_slice %arg8[%arg0, %mul3A_42, %dma_wait3A] : memref<2x5120x128xf32, #tpu.memory_space<hbm>> -> memref<1x320x128xf32, #tpu.memory_space<hbm>>
      %dma_wait3A_52 = tpu.memref_squeeze %dma_wait3A_51 : memref<1x320x128xf32, #tpu.memory_space<hbm>> -> memref<320x128xf32, #tpu.memory_space<hbm>>
      %dma_wait3A_53 = arith.constant 0 : i32
      %dma_wait3A_54 = tpu.memref_slice %arg17[%mul3A_42, %dma_wait3A_53] : memref<5248x128xf32, #tpu.memory_space<vmem_shared>> -> memref<320x128xf32, #tpu.memory_space<vmem_shared>>
      tpu.wait_dma2 semaphore(%run_scoped3A : memref<!tpu.dma_semaphore, #tpu.memory_space<semaphore_mem>>) src(%dma_wait3A_54 : memref<320x128xf32, #tpu.memory_space<vmem_shared>>) dst(%dma_wait3A_52 : memref<320x128xf32, #tpu.memory_space<hbm>>)
      tpu.yield
    }) : () -> ()
    "tpu.region"() ({
      %run_scoped3A = tpu.sem_alloc : memref<!tpu.dma_semaphore, #tpu.memory_space<semaphore_mem>>
      %dma_start3A_46 = tpu.memref_slice %arg18[%mul3A_42] : memref<5248xf32, #tpu.memory_space<vmem_shared>> -> memref<320xf32, #tpu.memory_space<vmem_shared>>
      %dma_start3A_47 = tpu.memref_slice %arg18[%mul3A_42] : memref<5248xf32, #tpu.memory_space<vmem_shared>> -> memref<320xf32, #tpu.memory_space<vmem_shared>>
      tpu.enqueue_dma source(%dma_start3A_47 : memref<320xf32, #tpu.memory_space<vmem_shared>>) target(%arg16 : memref<320xf32, #tpu.memory_space<vmem>>) target_semaphore(%run_scoped3A : memref<!tpu.dma_semaphore, #tpu.memory_space<semaphore_mem>>)
      %dma_wait3A = tpu.memref_slice %arg18[%mul3A_42] : memref<5248xf32, #tpu.memory_space<vmem_shared>> -> memref<320xf32, #tpu.memory_space<vmem_shared>>
      %dma_wait3A_48 = tpu.memref_slice %arg18[%mul3A_42] : memref<5248xf32, #tpu.memory_space<vmem_shared>> -> memref<320xf32, #tpu.memory_space<vmem_shared>>
      tpu.wait_dma2 semaphore(%run_scoped3A : memref<!tpu.dma_semaphore, #tpu.memory_space<semaphore_mem>>) src(%dma_wait3A_48 : memref<320xf32, #tpu.memory_space<vmem_shared>>) dst(%arg16 : memref<320xf32, #tpu.memory_space<vmem>>)
      tpu.yield
    }) : () -> ()
    %mul3A_43 = arith.constant 5120 : i32
    %mul3A_44 = arith.muli %arg0, %mul3A_43 : i32
    %add3A_45 = arith.addi %mul3A_44, %mul3A_42 : i32
    "tpu.region"() ({
      %run_scoped3A = tpu.sem_alloc : memref<!tpu.dma_semaphore, #tpu.memory_space<semaphore_mem>>
      %dma_start3A_46 = tpu.memref_slice %arg9[%add3A_45] : memref<10240xf32, #tpu.memory_space<hbm>> -> memref<320xf32, #tpu.memory_space<hbm>>
      %dma_start3A_47 = tpu.memref_slice %arg9[%add3A_45] : memref<10240xf32, #tpu.memory_space<hbm>> -> memref<320xf32, #tpu.memory_space<hbm>>
      tpu.enqueue_dma source(%arg16 : memref<320xf32, #tpu.memory_space<vmem>>) target(%dma_start3A_47 : memref<320xf32, #tpu.memory_space<hbm>>) target_semaphore(%run_scoped3A : memref<!tpu.dma_semaphore, #tpu.memory_space<semaphore_mem>>)
      %dma_wait3A = tpu.memref_slice %arg9[%add3A_45] : memref<10240xf32, #tpu.memory_space<hbm>> -> memref<320xf32, #tpu.memory_space<hbm>>
      %dma_wait3A_48 = tpu.memref_slice %arg9[%add3A_45] : memref<10240xf32, #tpu.memory_space<hbm>> -> memref<320xf32, #tpu.memory_space<hbm>>
      tpu.wait_dma2 semaphore(%run_scoped3A : memref<!tpu.dma_semaphore, #tpu.memory_space<semaphore_mem>>) src(%arg16 : memref<320xf32, #tpu.memory_space<vmem>>) dst(%dma_wait3A_48 : memref<320xf32, #tpu.memory_space<hbm>>)
      tpu.yield
    }) : () -> ()
    return
  }
}

module attributes {stable_mosaic.version = 14 : i64} {
  func.func @_tc_pre_body(%arg0: i32, %arg1: memref<640x128xf32, #tpu.memory_space<vmem>>, %arg2: memref<128x128xf32, #tpu.memory_space<vmem>>, %arg3: memref<640x128xf32, #tpu.memory_space<vmem>>) attributes {dimension_semantics = [#tpu.dimension_semantics<arbitrary>], iteration_bounds = array<i64: 16>, scalar_prefetch = 0 : i64, scratch_operands = 0 : i64, tpu.core_type = #tpu.core_type<tc>, window_params = [{transform_indices = @transform_0, window_bounds = array<i64: 640, 128>}, {pipeline_mode = #tpu.pipeline_mode<synchronous>, transform_indices = @transform_1, window_bounds = array<i64: 128, 128>}, {transform_indices = @transform_2, window_bounds = array<i64: 640, 128>}]} {
    %get3A = arith.constant 0 : index
    %get3A_0 = arith.constant 0 : index
    %get3A_1 = vector.load %arg1[%get3A, %get3A_0] : memref<640x128xf32, #tpu.memory_space<vmem>>, vector<640x128xf32>
    %get3A_2 = arith.constant 0 : index
    %get3A_3 = arith.constant 0 : index
    %get3A_4 = vector.load %arg2[%get3A_2, %get3A_3] : memref<128x128xf32, #tpu.memory_space<vmem>>, vector<128x128xf32>
    %dot_general3A = arith.constant dense<0.000000e+00> : vector<640x128xf32>
    %dot_general3A_5 = tpu.matmul %get3A_1, %get3A_4, %dot_general3A {dimension_numbers = #tpu.dot_dimension_numbers<[1], [0], [0], [1], [0, 0, 1, 1], [], []>, transpose_lhs_hint = false} : vector<640x128xf32>, vector<128x128xf32>, vector<640x128xf32> -> vector<640x128xf32>
    %swap3A = arith.constant 0 : index
    %swap3A_6 = arith.constant 0 : index
    %swap3A_7 = vector.load %arg3[%swap3A, %swap3A_6] : memref<640x128xf32, #tpu.memory_space<vmem>>, vector<640x128xf32>
    tpu.vector_store %arg3[%swap3A, %swap3A_6], %dot_general3A_5 {strides = array<i32>} : memref<640x128xf32, #tpu.memory_space<vmem>>, vector<640x128xf32>,
    return
  }
  func.func @transform_0(%arg0: i32) -> (i32, i32) {
    %c0_i32 = arith.constant 0 : i32
    %c0_i32_0 = arith.constant 0 : i32
    return %arg0, %c0_i32 : i32, i32
  }
  func.func @transform_1(%arg0: i32) -> (i32, i32) {
    %c0_i32 = arith.constant 0 : i32
    %c0_i32_0 = arith.constant 0 : i32
    %c0_i32_1 = arith.constant 0 : i32
    return %c0_i32, %c0_i32_0 : i32, i32
  }
  func.func @transform_2(%arg0: i32) -> (i32, i32) {
    %c0_i32 = arith.constant 0 : i32
    %c0_i32_0 = arith.constant 0 : i32
    return %arg0, %c0_i32 : i32, i32
  }
}

module attributes {stable_mosaic.version = 14 : i64} {
  func.func @_tc_body(%arg0: i32, %arg1: memref<640x128xf32, #tpu.memory_space<vmem>>, %arg2: memref<1x640x128xf32, #tpu.memory_space<vmem>>, %arg3: memref<640x1xf32, #tpu.memory_space<vmem>>, %arg4: memref<640x1xi32, #tpu.memory_space<vmem>>, %arg5: memref<128x128xf32, #tpu.memory_space<vmem>>, %arg6: memref<128x128xf32, #tpu.memory_space<vmem>>, %arg7: memref<128x128xf32, #tpu.memory_space<vmem>>, %arg8: memref<64x128xf32, #tpu.memory_space<vmem>>, %arg9: memref<64x128xf32, #tpu.memory_space<vmem>>, %arg10: memref<64x1xf32, #tpu.memory_space<vmem>>) attributes {dimension_semantics = [#tpu.dimension_semantics<arbitrary>], iteration_bounds = array<i64: 16>, scalar_prefetch = 0 : i64, scratch_operands = 2 : i64, tpu.core_type = #tpu.core_type<tc>, window_params = [{transform_indices = @transform_0, window_bounds = array<i64: 640, 128>}, {transform_indices = @transform_1, window_bounds = array<i64: 1, 640, 128>}, {transform_indices = @transform_2, window_bounds = array<i64: 640, 1>}, {transform_indices = @transform_3, window_bounds = array<i64: 640, 1>}, {pipeline_mode = #tpu.pipeline_mode<synchronous>, transform_indices = @transform_4, window_bounds = array<i64: 128, 128>}, {pipeline_mode = #tpu.pipeline_mode<synchronous>, transform_indices = @transform_5, window_bounds = array<i64: 128, 128>}, {pipeline_mode = #tpu.pipeline_mode<synchronous>, transform_indices = @transform_6, window_bounds = array<i64: 128, 128>}, {pipeline_mode = #tpu.pipeline_mode<synchronous>, transform_indices = @transform_7, window_bounds = array<i64: 64, 128>}]} {
    %eq3A = arith.constant 0 : i32
    %eq3A_0 = arith.cmpi eq, %arg0, %eq3A : i32
    %convert_element_type3A = arith.extui %eq3A_0 : i1 to i32
    %cond3A = arith.constant 0 : i32
    %cond3A_1 = arith.cmpi ne, %convert_element_type3A, %cond3A : i32
    scf.if %cond3A_1 {
      %broadcast_in_dim3A_50 = arith.constant 0.000000e+00 : f32
      %broadcast_in_dim3A_51 = vector.broadcast %broadcast_in_dim3A_50 : f32 to vector<64x128xf32>
      %swap3A_52 = arith.constant 0 : index
      %swap3A_53 = arith.constant 0 : index
      %swap3A_54 = vector.load %arg9[%swap3A_52, %swap3A_53] : memref<64x128xf32, #tpu.memory_space<vmem>>, vector<64x128xf32>
      tpu.vector_store %arg9[%swap3A_52, %swap3A_53], %broadcast_in_dim3A_51 {strides = array<i32>} : memref<64x128xf32, #tpu.memory_space<vmem>>, vector<64x128xf32>,
      %broadcast_in_dim3A_55 = arith.constant 0.000000e+00 : f32
      %broadcast_in_dim3A_56 = vector.broadcast %broadcast_in_dim3A_55 : f32 to vector<64x1xf32>
      %swap3A_57 = arith.constant 0 : index
      %swap3A_58 = arith.constant 0 : index
      %swap3A_59 = vector.load %arg10[%swap3A_57, %swap3A_58] : memref<64x1xf32, #tpu.memory_space<vmem>>, vector<64x1xf32>
      tpu.vector_store %arg10[%swap3A_57, %swap3A_58], %broadcast_in_dim3A_56 {strides = array<i32>} : memref<64x1xf32, #tpu.memory_space<vmem>>, vector<64x1xf32>,
    } else {
    }
    %get3A = arith.constant 0 : index
    %get3A_2 = arith.constant 0 : index
    %get3A_3 = vector.load %arg3[%get3A, %get3A_2] : memref<640x1xf32, #tpu.memory_space<vmem>>, vector<640x1xf32>
    %max3A = arith.constant 1.000000e+00 : f32
    %max3A_4 = vector.broadcast %max3A : f32 to vector<640x1xf32>
    %max3A_5 = arith.maximumf %get3A_3, %max3A_4 : vector<640x1xf32>
    %get3A_6 = arith.constant 0 : index
    %get3A_7 = arith.constant 0 : index
    %get3A_8 = arith.constant 0 : index
    %get3A_9 = vector.load %arg2[%get3A_6, %get3A_7, %get3A_8] : memref<1x640x128xf32, #tpu.memory_space<vmem>>, vector<1x640x128xf32>
    %get3A_10 = vector.shape_cast %get3A_9 : vector<1x640x128xf32> to vector<640x128xf32>
    %div3A = vector.broadcast %max3A_5 : vector<640x1xf32> to vector<640x128xf32>
    %div3A_11 = arith.divf %get3A_10, %div3A : vector<640x128xf32>
    %get3A_12 = arith.constant 0 : index
    %get3A_13 = arith.constant 0 : index
    %get3A_14 = vector.load %arg1[%get3A_12, %get3A_13] : memref<640x128xf32, #tpu.memory_space<vmem>>, vector<640x128xf32>
    %get3A_15 = arith.constant 0 : index
    %get3A_16 = arith.constant 0 : index
    %get3A_17 = vector.load %arg5[%get3A_15, %get3A_16] : memref<128x128xf32, #tpu.memory_space<vmem>>, vector<128x128xf32>
    %dot_general3A = arith.constant dense<0.000000e+00> : vector<640x128xf32>
    %dot_general3A_18 = tpu.matmul %div3A_11, %get3A_17, %dot_general3A {dimension_numbers = #tpu.dot_dimension_numbers<[1], [0], [0], [1], [0, 0, 1, 1], [], []>, transpose_lhs_hint = false} : vector<640x128xf32>, vector<128x128xf32>, vector<640x128xf32> -> vector<640x128xf32>
    %add3A = arith.addf %get3A_14, %dot_general3A_18 : vector<640x128xf32>
    %max3A_19 = arith.constant 0.000000e+00 : f32
    %max3A_20 = vector.broadcast %max3A_19 : f32 to vector<640x128xf32>
    %max3A_21 = arith.maximumf %add3A, %max3A_20 : vector<640x128xf32>
    %get3A_22 = arith.constant 0 : index
    %get3A_23 = arith.constant 0 : index
    %get3A_24 = vector.load %arg4[%get3A_22, %get3A_23] : memref<640x1xi32, #tpu.memory_space<vmem>>, vector<640x1xi32>
    %iota3A = tpu.iota {dimensions = array<i32: 1>} : vector<640x64xi32>
    %eq3A_25 = vector.broadcast %get3A_24 : vector<640x1xi32> to vector<640x64xi32>
    %eq3A_26 = arith.cmpi eq, %eq3A_25, %iota3A : vector<640x64xi32>
    %convert_element_type3A_27 = arith.extui %eq3A_26 : vector<640x64xi1> to vector<640x64xi32>
    %convert_element_type3A_28 = arith.sitofp %convert_element_type3A_27 : vector<640x64xi32> to vector<640x64xf32>
    %get3A_29 = arith.constant 0 : index
    %get3A_30 = arith.constant 0 : index
    %get3A_31 = vector.load %arg9[%get3A_29, %get3A_30] : memref<64x128xf32, #tpu.memory_space<vmem>>, vector<64x128xf32>
    %dot_general3A_32 = arith.constant dense<0.000000e+00> : vector<64x128xf32>
    %dot_general3A_33 = tpu.matmul %convert_element_type3A_28, %max3A_21, %dot_general3A_32 {dimension_numbers = #tpu.dot_dimension_numbers<[0], [0], [1], [1], [0, 1, 1, 1], [], []>, transpose_lhs_hint = false} : vector<640x64xf32>, vector<640x128xf32>, vector<64x128xf32> -> vector<64x128xf32>
    %add3A_34 = arith.addf %get3A_31, %dot_general3A_33 : vector<64x128xf32>
    %swap3A = arith.constant 0 : index
    %swap3A_35 = arith.constant 0 : index
    %swap3A_36 = vector.load %arg9[%swap3A, %swap3A_35] : memref<64x128xf32, #tpu.memory_space<vmem>>, vector<64x128xf32>
    tpu.vector_store %arg9[%swap3A, %swap3A_35], %add3A_34 {strides = array<i32>} : memref<64x128xf32, #tpu.memory_space<vmem>>, vector<64x128xf32>,
    %get3A_37 = arith.constant 0 : index
    %get3A_38 = arith.constant 0 : index
    %get3A_39 = vector.load %arg10[%get3A_37, %get3A_38] : memref<64x1xf32, #tpu.memory_space<vmem>>, vector<64x1xf32>
    %reduce_sum3A = arith.constant dense<0.000000e+00> : vector<64xf32>
    %reduce_sum3A_40 = vector.multi_reduction <add>, %convert_element_type3A_28, %reduce_sum3A [0] : vector<640x64xf32> to vector<64xf32>
    %broadcast_in_dim3A = vector.shape_cast %reduce_sum3A_40 : vector<64xf32> to vector<64x1xf32>
    %add3A_41 = arith.addf %get3A_39, %broadcast_in_dim3A : vector<64x1xf32>
    %swap3A_42 = arith.constant 0 : index
    %swap3A_43 = arith.constant 0 : index
    %swap3A_44 = vector.load %arg10[%swap3A_42, %swap3A_43] : memref<64x1xf32, #tpu.memory_space<vmem>>, vector<64x1xf32>
    tpu.vector_store %arg10[%swap3A_42, %swap3A_43], %add3A_41 {strides = array<i32>} : memref<64x1xf32, #tpu.memory_space<vmem>>, vector<64x1xf32>,
    %eq3A_45 = arith.constant 15 : i32
    %eq3A_46 = arith.cmpi eq, %arg0, %eq3A_45 : i32
    %convert_element_type3A_47 = arith.extui %eq3A_46 : i1 to i32
    %cond3A_48 = arith.constant 0 : i32
    %cond3A_49 = arith.cmpi ne, %convert_element_type3A_47, %cond3A_48 : i32
    scf.if %cond3A_49 {
      %get3A_50 = arith.constant 0 : index
      %get3A_51 = arith.constant 0 : index
      %get3A_52 = vector.load %arg9[%get3A_50, %get3A_51] : memref<64x128xf32, #tpu.memory_space<vmem>>, vector<64x128xf32>
      %get3A_53 = arith.constant 0 : index
      %get3A_54 = arith.constant 0 : index
      %get3A_55 = vector.load %arg10[%get3A_53, %get3A_54] : memref<64x1xf32, #tpu.memory_space<vmem>>, vector<64x1xf32>
      %max3A_56 = arith.constant 1.000000e+00 : f32
      %max3A_57 = vector.broadcast %max3A_56 : f32 to vector<64x1xf32>
      %max3A_58 = arith.maximumf %get3A_55, %max3A_57 : vector<64x1xf32>
      %div3A_59 = vector.broadcast %max3A_58 : vector<64x1xf32> to vector<64x128xf32>
      %div3A_60 = arith.divf %get3A_52, %div3A_59 : vector<64x128xf32>
      %get3A_61 = arith.constant 0 : index
      %get3A_62 = arith.constant 0 : index
      %get3A_63 = vector.load %arg6[%get3A_61, %get3A_62] : memref<128x128xf32, #tpu.memory_space<vmem>>, vector<128x128xf32>
      %dot_general3A_64 = arith.constant dense<0.000000e+00> : vector<64x128xf32>
      %dot_general3A_65 = tpu.matmul %div3A_60, %get3A_63, %dot_general3A_64 {dimension_numbers = #tpu.dot_dimension_numbers<[1], [0], [0], [1], [0, 0, 1, 1], [], []>, transpose_lhs_hint = false} : vector<64x128xf32>, vector<128x128xf32>, vector<64x128xf32> -> vector<64x128xf32>
      %max3A_66 = arith.constant 0.000000e+00 : f32
      %max3A_67 = vector.broadcast %max3A_66 : f32 to vector<64x128xf32>
      %max3A_68 = arith.maximumf %dot_general3A_65, %max3A_67 : vector<64x128xf32>
      %get3A_69 = arith.constant 0 : index
      %get3A_70 = arith.constant 0 : index
      %get3A_71 = vector.load %arg7[%get3A_69, %get3A_70] : memref<128x128xf32, #tpu.memory_space<vmem>>, vector<128x128xf32>
      %dot_general3A_72 = arith.constant dense<0.000000e+00> : vector<64x128xf32>
      %dot_general3A_73 = tpu.matmul %max3A_68, %get3A_71, %dot_general3A_72 {dimension_numbers = #tpu.dot_dimension_numbers<[1], [0], [0], [1], [0, 0, 1, 1], [], []>, transpose_lhs_hint = false} : vector<64x128xf32>, vector<128x128xf32>, vector<64x128xf32> -> vector<64x128xf32>
      %swap3A_74 = arith.constant 0 : index
      %swap3A_75 = arith.constant 0 : index
      %swap3A_76 = vector.load %arg8[%swap3A_74, %swap3A_75] : memref<64x128xf32, #tpu.memory_space<vmem>>, vector<64x128xf32>
      tpu.vector_store %arg8[%swap3A_74, %swap3A_75], %dot_general3A_73 {strides = array<i32>} : memref<64x128xf32, #tpu.memory_space<vmem>>, vector<64x128xf32>,
    } else {
    }
    return
  }
  func.func @transform_0(%arg0: i32) -> (i32, i32) {
    %c0_i32 = arith.constant 0 : i32
    %c0_i32_0 = arith.constant 0 : i32
    return %arg0, %c0_i32 : i32, i32
  }
  func.func @transform_1(%arg0: i32) -> (i32, i32, i32) {
    %jit3A = arith.constant 8 : i32
    %div3A = arith.divsi %arg0, %jit3A : i32
    %sign3A = arith.constant 0 : i32
    %sign3A_0 = arith.cmpi sgt, %arg0, %sign3A : i32
    %sign3A_1 = arith.extui %sign3A_0 : i1 to i32
    %sign3A_2 = arith.constant 0 : i32
    %sign3A_3 = arith.cmpi slt, %arg0, %sign3A_2 : i32
    %sign3A_4 = arith.extui %sign3A_3 : i1 to i32
    %sign3A_5 = arith.subi %sign3A_1, %sign3A_4 : i32
    %sign3A_6 = arith.constant 0 : i32
    %sign3A_7 = arith.cmpi sgt, %jit3A, %sign3A_6 : i32
    %sign3A_8 = arith.extui %sign3A_7 : i1 to i32
    %sign3A_9 = arith.constant 0 : i32
    %sign3A_10 = arith.cmpi slt, %jit3A, %sign3A_9 : i32
    %sign3A_11 = arith.extui %sign3A_10 : i1 to i32
    %sign3A_12 = arith.subi %sign3A_8, %sign3A_11 : i32
    %ne3A = arith.cmpi ne, %sign3A_5, %sign3A_12 : i32
    %rem3A = arith.remsi %arg0, %jit3A : i32
    %ne3A_13 = arith.constant 0 : i32
    %ne3A_14 = arith.cmpi ne, %rem3A, %ne3A_13 : i32
    %and3A = arith.andi %ne3A, %ne3A_14 : i1
    %sub3A = arith.constant 1 : i32
    %sub3A_15 = arith.subi %div3A, %sub3A : i32
    %select_n3A = arith.select %and3A, %sub3A_15, %div3A : i32
    %jit3A_16 = arith.constant 8 : i32
    %eq3A = arith.constant 0 : i32
    %eq3A_17 = arith.cmpi eq, %jit3A_16, %eq3A : i32
    %jit3A_18 = arith.constant 1 : i32
    %select_n3A_19 = arith.select %eq3A_17, %jit3A_18, %jit3A_16 : i32
    %rem3A_20 = arith.remsi %arg0, %select_n3A_19 : i32
    %ne3A_21 = arith.constant 0 : i32
    %ne3A_22 = arith.cmpi ne, %rem3A_20, %ne3A_21 : i32
    %lt3A = arith.constant 0 : i32
    %lt3A_23 = arith.cmpi slt, %rem3A_20, %lt3A : i32
    %lt3A_24 = arith.constant 0 : i32
    %lt3A_25 = arith.cmpi slt, %select_n3A_19, %lt3A_24 : i32
    %ne3A_26 = arith.xori %lt3A_23, %lt3A_25 : i1
    %and3A_27 = arith.andi %ne3A_26, %ne3A_22 : i1
    %add3A = arith.addi %rem3A_20, %select_n3A_19 : i32
    %select_n3A_28 = arith.select %and3A_27, %add3A, %rem3A_20 : i32
    %c0_i32 = arith.constant 0 : i32
    %c0_i32_29 = arith.constant 0 : i32
    return %select_n3A, %select_n3A_28, %c0_i32 : i32, i32, i32
  }
  func.func @transform_2(%arg0: i32) -> (i32, i32) {
    %c0_i32 = arith.constant 0 : i32
    %c0_i32_0 = arith.constant 0 : i32
    return %arg0, %c0_i32 : i32, i32
  }
  func.func @transform_3(%arg0: i32) -> (i32, i32) {
    %c0_i32 = arith.constant 0 : i32
    %c0_i32_0 = arith.constant 0 : i32
    return %arg0, %c0_i32 : i32, i32
  }
  func.func @transform_4(%arg0: i32) -> (i32, i32) {
    %c0_i32 = arith.constant 0 : i32
    %c0_i32_0 = arith.constant 0 : i32
    %c0_i32_1 = arith.constant 0 : i32
    return %c0_i32, %c0_i32_0 : i32, i32
  }
  func.func @transform_5(%arg0: i32) -> (i32, i32) {
    %c0_i32 = arith.constant 0 : i32
    %c0_i32_0 = arith.constant 0 : i32
    %c0_i32_1 = arith.constant 0 : i32
    return %c0_i32, %c0_i32_0 : i32, i32
  }
  func.func @transform_6(%arg0: i32) -> (i32, i32) {
    %c0_i32 = arith.constant 0 : i32
    %c0_i32_0 = arith.constant 0 : i32
    %c0_i32_1 = arith.constant 0 : i32
    return %c0_i32, %c0_i32_0 : i32, i32
  }
  func.func @transform_7(%arg0: i32) -> (i32, i32) {
    %c0_i32 = arith.constant 0 : i32
    %c0_i32_0 = arith.constant 0 : i32
    %c0_i32_1 = arith.constant 0 : i32
    return %c0_i32, %c0_i32_0 : i32, i32
  }
}

</mosaic_0001>

<sc_bundles>
// kernel: kernel.5.cloned.1.call-start
scs
__scs_entry_jumppad:
0x0: {  	(pc) =	sbr.rel $0x88, $3  }
0x1: {  	(tag) =	ssettag $0x0;
	lr =	simm.s32 $0x1  }
0x2: {  	[smem:$0x3F9A] =	sst lr;
	_ =	strace $0xD0000000  }
0x3: {  	_ = 	snop  }
0x4: {  	_ = 	snop  }
0x5: {  	_ = 	snop  }
0x6: {  	_ = 	snop  }
0x7: {  	_ = 	snop  }
__scs_overlays_trampoline_lowered:
0x8: {  	[smem:$0x3FA9] =	sst s0  }
0x9: {  	[smem:$0x3FAA] =	sst s1  }
0xa: {  	[smem:$0x3FAB] =	sst s2  }
0xb: {  	[smem:$0x3FAC] =	sst s3  }
0xc: {  	[smem:$0x3FAD] =	sst s4  }
0xd: {  	[smem:$0x3FAE] =	sst s5  }
0xe: {  	[smem:$0x3FAF] =	sst s6  }
0xf: {  	[smem:$0x3FB0] =	sst s7  }
0x10: {  	[smem:$0x3FB1] =	sst s8  }
0x11: {  	[smem:$0x3FB2] =	sst s9;
	s0 =	simm.s32 @!p0 $0x0  }
0x12: {  	s1 =	sld [smem:$0x3F98];
	s0 =	simm.s32 @p0 $0x1  }
0x13: {  	[smem:$0x3FB3] =	sst s0;
	s0 =	simm.s32 @!p1 $0x0  }
0x14: {  	s2 =	sld [smem:$0x3F97];
	s0 =	simm.s32 @p1 $0x1  }
0x15: {  	[smem:$0x3FB4] =	sst s0;
	s0 =	simm.s32 @!p2 $0x0  }
0x16: {  	s3 =	sld [smem:$0x3FDB];
	s0 =	simm.s32 @p2 $0x1  }
0x17: {  	s4 =	simm.s32 $0x1BF5;
	[smem:$0x3FB6] =	sst s0  }
0x18: {  	s0 =	sld [smem:$0x3F99];
	_ =	swait.ge [sflag:s4], $0x0  }
0x19: {  	s7 =	sld [smem:$0x3F9A]  }
0x1a: {  	s8 =	sadd.s32 $0xFFFFE003, lr  }
0x1b: {  	s9 =	sadd.s32 $0xFFFFFEF7, lr;
	s5 =	simm.s32 $0xFFFFFFFF;
	p2 =	slt.u32 s8, $0xFFFFF086  }
0x1c: {  	p1 =	slt.u32 s9, $0xF7A;
	s5 =	simm.s32 @!p2 $0x0  }
0x1d: {  	s5 =	simm.s32 @p1 $0x1;
	p0 =	seq.s32 s7, s2  }
0x1e: {  	s7 =	smul.u32 @!p0 $0xF7A, s2;
	p2 =	seq.s32 @!p0 s5, $0x0  }
0x1f: {  	s9 =	smul.u32 $0xF7A, s1;
	s8 =	simm.s32 @!p0 $0x1BF5;
	p2 =	por !p2, p0  }
0x20: {  	[sflag:s8] =	ssyncset.s32 @!p0 $0xFFFFF086;
	s6 =	sadd.s32 @!p0 s3, s7;
	s7 =	simm.s32 @!p0 $0x108  }
0x21: {  	s3 =	sadd.s32 s3, s9;
	s6 =	sadd.s32 @!p0 $0x88, s6;
	s7 =	simm.s32 @p2 $0x1082  }
0x22: {  	[simem:s7], [sflag:s8] =	dma.local @!p0 [hbm:s6], $0xF7A  }
0x23: {  	s9 =	sor.u32 $0xD0000000, s2;
	s6 =	simm.s32 $0x108;
	_ =	swait.ge @!p0 [sflag:s8], $0x0  }
0x24: {  	s3 =	sadd.s32 $0x88, s3;
	s6 =	simm.s32 @!p1 $0x1082;
	[sflag:s4] =	ssyncset.s32 $0xFFFFF086  }
0x25: {  	[simem:s6], [sflag:s4] =	dma.local [hbm:s3], $0xF7A  }
0x26: {  	[smem:$0x3F9A] =	sst s1;
	(tag) =	ssettag s2;
	_ =	strace s9  }
0x27: {  	s1 =	sld [smem:$0x3FAA]  }
0x28: {  	s2 =	sld [smem:$0x3FAB]  }
0x29: {  	s4 =	sld [smem:$0x3FAD]  }
0x2a: {  	p0 =	seq.s32 s5, $0x0;
	s5 =	sld [smem:$0x3FAE]  }
0x2b: {  	s6 =	sld [smem:$0x3FAF]  }
0x2c: {  	s7 =	sld [smem:$0x3FB0]  }
0x2d: {  	s3 =	simm.s32 $0x108;
	s8 =	sld [smem:$0x3FB1]  }
0x2e: {  	s3 =	simm.s32 @!p0 $0x1082;
	s9 =	sld [smem:$0x3FB2]  }
0x2f: {  	lr =	sadd.s32 s0, s3;
	s0 =	sld [smem:$0x3FA9]  }
0x30: {  	s3 =	sld [smem:$0x3FAC]  }
0x31: {  	[smem:$0x3FB5] =	sst s10  }
0x32: {  	s10 =	sld [smem:$0x3FB3];
	_ =	sdelay $0x3  }
0x33: {  	p0 =	seq.s32 s10, $0x1;
	s10 =	sld [smem:$0x3FB5];
	_ =	sdelay $0x3  }
0x34: {  	[smem:$0x3FB5] =	sst s10  }
0x35: {  	s10 =	sld [smem:$0x3FB4];
	_ =	sdelay $0x3  }
0x36: {  	p1 =	seq.s32 s10, $0x1;
	s10 =	sld [smem:$0x3FB5];
	_ =	sdelay $0x3  }
0x37: {  	[smem:$0x3FB5] =	sst s10  }
0x38: {  	s10 =	sld [smem:$0x3FB6]  }
0x39: {  	_ = 	snop;
	(pc) =	sbr.ind lr, $3  }
0x3a: {  	_ = 	snop  }
0x3b: {  	_ = 	snop  }
0x3c: {  	p2 =	seq.s32 s10, $0x1;
	s10 =	sld [smem:$0x3FB5]  }
0x3d: {  	_ =	shalt  }
0x3e: {  	_ =	shalt  }
0x3f: {  	_ =	shalt  }
0x40: {  	_ =	shalt  }
0x41: {  	_ =	shalt  }
0x42: {  	_ =	shalt  }
0x43: {  	_ =	shalt  }
0x44: {  	_ =	shalt  }
0x45: {  	_ =	shalt  }
0x46: {  	_ =	shalt  }
0x47: {  	_ =	shalt  }
0x48: {  	_ =	shalt  }
0x49: {  	_ =	shalt  }
0x4a: {  	_ =	shalt  }
0x4b: {  	_ =	shalt  }
0x4c: {  	_ =	shalt  }
0x4d: {  	_ =	shalt  }
0x4e: {  	_ =	shalt  }
0x4f: {  	_ =	shalt  }
0x50: {  	_ =	shalt  }
0x51: {  	_ =	shalt  }
0x52: {  	_ =	shalt  }
0x53: {  	_ =	shalt  }
0x54: {  	_ =	shalt  }
0x55: {  	_ =	shalt  }
0x56: {  	_ =	shalt  }
0x57: {  	_ =	shalt  }
0x58: {  	_ =	shalt  }
0x59: {  	_ =	shalt  }
0x5a: {  	_ =	shalt  }
0x5b: {  	_ =	shalt  }
0x5c: {  	_ =	shalt  }
0x5d: {  	_ =	shalt  }
0x5e: {  	_ =	shalt  }
0x5f: {  	_ =	shalt  }
0x60: {  	_ =	shalt  }
0x61: {  	_ =	shalt  }
0x62: {  	_ =	shalt  }
0x63: {  	_ =	shalt  }
0x64: {  	_ =	shalt  }
0x65: {  	_ =	shalt  }
0x66: {  	_ =	shalt  }
0x67: {  	_ =	shalt  }
0x68: {  	_ =	shalt  }
0x69: {  	_ =	shalt  }
0x6a: {  	_ =	shalt  }
0x6b: {  	_ =	shalt  }
0x6c: {  	_ =	shalt  }
0x6d: {  	_ =	shalt  }
0x6e: {  	_ =	shalt  }
0x6f: {  	_ =	shalt  }
0x70: {  	_ =	shalt  }
0x71: {  	_ =	shalt  }
0x72: {  	_ =	shalt  }
0x73: {  	_ =	shalt  }
0x74: {  	_ =	shalt  }
0x75: {  	_ =	shalt  }
0x76: {  	_ =	shalt  }
0x77: {  	_ =	shalt  }
0x78: {  	_ =	shalt  }
0x79: {  	_ =	shalt  }
0x7a: {  	_ =	shalt  }
0x7b: {  	_ =	shalt  }
0x7c: {  	_ =	shalt  }
0x7d: {  	_ =	shalt  }
0x7e: {  	_ =	shalt  }
0x7f: {  	_ =	shalt  }
0x80: {  	_ =	shalt  }
0x81: {  	_ =	shalt  }
0x82: {  	_ =	shalt  }
0x83: {  	_ =	shalt  }
0x84: {  	_ =	shalt  }
0x85: {  	_ =	shalt  }
0x86: {  	_ =	shalt  }
0x87: {  	_ =	shalt  }
.Lfunc_end0:
.L_simem_size_0:
called_computation_lowered:
.L_overlay_start_0:
0x88: {  	s2 =	sld [smem:$0x3FD9]  }
0x89: {  	s3 =	sld [smem:$0x3FFE];
	_ =	sdelay $0x1  }
0x8a: {  	s1 =	srdreg.scid  }
0x8b: {  	s0 =	sand.u32 $0x1, s1  }
0x8c: {  	s17 =	sshll.u32 s0, $0xA;
	s2 =	sadd.s32 s3, s2  }
0x8d: {  	s2 =	sadd.s32 s2, s17  }
0x8e: {  	[smem:$0x3FC1] =	sst s2  }
0x8f: {  	_ = 	snop  }
0x90: {  	s2 =	sld [smem:$0x3FD0];
	(tm) =	ssettm $0x1  }
0x91: {  	s18 =	sld [smem:$0x3FFB];
	_ =	sdelay $0x3  }
0x92: {  	_ =	strace s18  }
0x93: {  	s3 =	sld [smem:$0x3FFC];
	_ =	sdelay $0x3  }
0x94: {  	_ =	strace s3  }
0x95: {  	s3 =	sld [smem:$0x3FFD];
	_ =	sdelay $0x3  }
0x96: {  	_ =	strace s3  }
0x97: {  	_ =	strace $0x8FFFFFFF  }
0x98: {  	s19 =	sld [smem:$0x3FDB];
	_ =	sdelay $0x1  }
0x99: {  	s4 =	simm.s32 $_scs_section_size  }
0x9a: {  	s5 =	simm.s32 $_size__tile_overlayer_lowered;
	s6 =	simm.s32 $_tile_overlayer_lowered  }
0x9b: {  	s22 =	simm.s32 $0x1BFF;
	s21 =	sshll.u32 s6, $0x1;
	s3 =	sadd.s32 s4, s19  }
0x9c: {  	s7 =	simm.s32 $0x0;
	s20 =	sshll.u32 s5, $0x1;
	s5 =	sadd.s32 s21, s3  }
0x9d: {  	[timem:s7], [sflag:s22] =	dma.local [hbm:s5], s20  }
0x9e: {  	_ =	swait.ge [sflag:s22], s20  }
0x9f: {  	s4 =	ssub.s32 $0x0, s20;
	[sflag:s22] =	ssyncset.done $0x0  }
0xa0: {  	[sflag:s22] =	ssyncadd.s32 s4;
	_ =	sdelay $0x1  }
0xa1: {  	s23 =	simm.s32 $0x1B8B  }
0xa2: {  	_ =	swait.ge [sflag:s23], $0x1  }
0xa3: {  	[sflag:s23] =	ssyncset.done $0x0  }
0xa4: {  	s25 =	simm.s32 $0x1B8E;
	s24 =	sld [smem:$0x3FFE];
	[sflag:s23] =	ssyncadd.s32 $0xFFFFFFFF  }
0xa5: {  	s26 =	simm.s32 $execute0_lowered;
	[smem:$0x3FD2] =	sst s25  }
0xa6: {  	s5 =	sshll.u32 s26, $0x1;
	_ =	strace $0x80000046;
	[dreg:$0x1] =	wrdreg $0xFFFFFFFF  }
0xa7: {  	s28 =	simm.s32 $_size_execute0_lowered;
	s3 =	sadd.s32 s3, s5;
	[dreg:$0x0] =	wrdreg $0x0  }
0xa8: {  	s5 =	sshll.u32 s28, $0x1;
	[dreg:$0x2] =	wrdreg s3  }
0xa9: {  	[dreg:$0x3] =	wrdreg s5  }
0xaa: {  	[dreg:$0x4] =	wrdreg $0xC0  }
0xab: {  	_ =	task [dreg:s7], $0x5FFFF  }
0xac: {  	[dreg:$0x1] =	wrdreg $0xFFFFFFFF  }
0xad: {  	[dreg:$0x0] =	wrdreg $0x60  }
0xae: {  	[dreg:$0x2] =	wrdreg s24  }
0xaf: {  	[dreg:$0x3] =	wrdreg s2  }
0xb0: {  	[dreg:$0x4] =	wrdreg $0x123800  }
0xb1: {  	[dreg:$0x5] =	wrdreg $0x1C7800  }
0xb2: {  	[dreg:$0x6] =	wrdreg $0x9  }
0xb3: {  	_ =	task.clear_ibuf [dreg:s7], $0x7FFFF;
	_ =	strace $0x90000046  }
0xb4: {  	s29 =	simm.s32 $0x9;
	_ =	strace $0x80000048  }
0xb5: {  	_ =	swait.ge [sflag:s29], $0x1  }
0xb6: {  	[sflag:s29] =	ssyncadd.s32 $0xFFFFFFFF  }
0xb7: {  	_ =	strace $0x90000048  }
0xb8: {  	_ =	sfence  }
0xb9: {  	s30 =	sld [smem:$0x0];
	_ =	sdelay $0x2  }
0xba: {  	s31 =	sshll.u32 s1, $0xD;
	s1 =	sshrl.u32 s1, $0x2  }
0xbb: {  	s3 =	sand.u32 $0x4000, s31;
	s1 =	sadd.s32 s1, s30  }
0xbc: {  	s0 =	sor.u32 s3, s0;
	s1 =	sshll.u32 s1, $0x11  }
0xbd: {  	s0 =	sor.u32 s1, s0  }
0xbe: {  	s0 =	sadd.s32 $0x8F2B, s0  }
0xbf: {  	[sflag:s0] =	ssyncadd.remote.s32 $0x1  }
0xc0: {  	_ =	sfence.sel $0xFFFF  }
0xc1: {  	[dreg:$0x0] =	wrdreg $0xFFFFFFFF;
	(pc) =	sbr.abs _section_cstart, $3  }
0xc2: {  	[dreg:$0x1] =	wrdreg $0xFFFFFFFF  }
0xc3: {  	_ =	task.clear_ibuf [dreg:s7], $0x2FFFF;
	_ =	strace $0x9FFFFFFF  }
0xc4: {  	(tm) =	ssettm $0x7FFFFFFF  }
0xc5: {  	_ =	shalt  }
tec
execute0_lowered:
.L_overlay_start_1:
0x0: {  	(tag) =	ssettag $0x1  }
0x1: {  	s0 =	rddreg [dreg:$0x0]  }
0x2: {  	s3 =	rddreg [dreg:$0x2]  }
0x3: {  	s7 =	stileid.u32;
	s1 =	srdreg.scid  }
0x4: {  	s4 =	rddreg [dreg:$0x3];
	s5 =	simm.s32 $0x0;
	s2 =	smul.u32 $0xA00, s7  }
0x5: {  	s19 =	simm.s32 $0xA000;
	s20 =	simm.s32 $0x3;
	s10 =	smul.u32 $0xA000, s7  }
0x6: {  	s21 =	simm.s32 $0x12080;
	s28 =	simm.s32 $0x1;
	s16 =	smul.u32 $0x140, s7  }
0x7: {  	s29 =	simm.s32 $0x9F00;
	s30 =	simm.s32 $0x9F80;
	s11 =	smul.u32 $0x29000, s7  }
0x8: {  	s31 =	simm.s32 $0x2;
	s1 =	sand.u32 $0x1, s1;
	s12 =	smul.u32 $0x520, s7  }
0x9: {  	[smem:$0x7FF] =	sst s5;
	s6 =	sadd.s32 $0x15000, s0;
	s17 =	smul.u32 $0x28000, s7  }
0xa: {  	s8 =	sadd.s32 $0x3D000, s0;
	s9 =	smul.u32 $0xA0000, s1;
	_ =	strace $0x80000047  }
0xb: {  	s22 =	smul.u32 $0x1400, s1;
	[dreg:$0x5] =	wrdreg s8;
	s1 =	ssub.s32 $0x2, s1  }
0xc: {  	s8 =	sadd.s32 $0x3D800, s0;
	s2 =	sadd.s32 s2, s0;
	s25 =	sshrl.u32 s1, $0x1  }
0xd: {  	s11 =	sshrl.u32 s11, $0x2;
	s12 =	sshrl.u32 s12, $0x2;
	s26 =	sshrl.u32 s17, $0x2  }
0xe: {  	s9 =	sadd.s32 s10, s9;
	s23 =	sadd.s32 s16, s22;
	s1 =	ssub.s32 s1, s25  }
0xf: {  	s12 =	sadd.s32 s12, s4;
	s13 =	sadd.s32 $0xB000, s2;
	s14 =	sadd.s32 $0x1000, s2  }
0x10: {  	s2 =	sadd.s32 s26, s3;
	s16 =	sadd.s32 s16, s4;
	s26 =	simm.s32 $0xE000  }
0x11: {  	s9 =	sshrl.u32 s9, $0x3;
	s24 =	sshrl.u32 s23, $0x3;
	s18 =	smax.u32 s1, $0x1  }
0x12: {  	v8 =	vlaneseq.u32;
	s23 =	simm.s32 $0x12000;
	s25 =	sshrl.u32 s2, $0x3;
	s2 =	simm.s32 $0x12200  }
0x13: {  	v1 =	vor.u32 $0x1400, v8;
	v2 =	vor.u32 $0x1410, v8;
	v3 =	vor.u32 $0x1420, v8;
	s1 =	simm.s32 $0x0;
	s15 =	sadd.s32 s9, s0;
	s9 =	sadd.s32 s11, s3  }
0x14: {  	v4 =	vor.u32 $0x1430, v8;
	v5 =	vor.u32 $0x1440, v8;
	v6 =	vor.u32 $0x1450, v8;
	s0 =	sadd.s32 s24, s0;
	s24 =	simm.s32 $0x80;
	s10 =	sadd.s32 $0x4000, s9  }
0x15: {  	v7 =	vor.u32 $0x1460, v8;
	v8 =	vor.u32 $0x1470, v8;
	v0 =	vmov s22;
	s11 =	sadd.s32 $0x8000, s9;
	s15 =	sadd.s32 $0x3E000, s15;
	s17 =	sadd.s32 $0x3DA00, s0  }
.LBB2_1:
0x16: {  	s0 =	rddreg [dreg:$0x5]  }
0x17: {  	[tilespmem:s19], [sflag:$0x3] =	stream.linear.gather [hbm4b:s0+s5], $0x4000, $0x38;
	[tilespmem:$0x1C8C8] =	vst v63  }
0x18: {  	_ =	swait.ge [sflag:s20], $0x4000  }
0x19: {  	[sflag:s20] =	ssyncset.done $0x0  }
0x1a: {  	[sflag:s20] =	ssyncadd.s32 $0xFFFFC000  }
0x1b: {  	s7 =	rddreg [dreg:$0x1]  }
0x1c: {  	[tilespmem:s21], [sflag:$0x3] =	stream.linear.gather [hbm4b:s7+s5], $0x180, $0x38;
	[tilespmem:$0x1C8C8] =	vst v63  }
0x1d: {  	_ =	swait.ge [sflag:s20], $0x180  }
0x1e: {  	[sflag:s20] =	ssyncset.done $0x0  }
0x1f: {  	[sflag:s20] =	ssyncadd.s32 $0xFFFFFE80  }
0x20: {  	[spmem:s9] =	stream.linear.scatter [tilespmem:s19], [sflag:$0x3], $0x4000, $0x38;
	[tilespmem:$0x1C8C8] =	vst v63  }
0x21: {  	_ =	swait.ge [sflag:s20], $0x4000  }
0x22: {  	[sflag:s20] =	ssyncset.done $0x0  }
0x23: {  	[sflag:s20] =	ssyncadd.s32 $0xFFFFC000  }
0x24: {  	[spmem:s10] =	stream.linear.scatter [tilespmem:s19], [sflag:$0x3], $0x4000, $0x38;
	[tilespmem:$0x1C8C8] =	vst v63  }
0x25: {  	_ =	swait.ge [sflag:s20], $0x4000  }
0x26: {  	[sflag:s20] =	ssyncset.done $0x0  }
0x27: {  	[sflag:s20] =	ssyncadd.s32 $0xFFFFC000  }
0x28: {  	[spmem:s11] =	stream.linear.scatter [tilespmem:s19], [sflag:$0x3], $0x2400, $0x38;
	[tilespmem:$0x1C8C8] =	vst v63  }
0x29: {  	_ =	swait.ge [sflag:s20], $0x2400  }
0x2a: {  	[sflag:s20] =	ssyncset.done $0x0  }
0x2b: {  	[sflag:s20] =	ssyncadd.s32 $0xFFFFDC00  }
0x2c: {  	[spmem:s12] =	stream.linear.scatter [tilespmem:s21], [sflag:$0x3], $0x148, $0x38;
	[tilespmem:$0x1C8C8] =	vst v63  }
0x2d: {  	_ =	swait.ge [sflag:s20], $0x148  }
0x2e: {  	[sflag:s20] =	ssyncset.done $0x0  }
0x2f: {  	[sflag:s20] =	ssyncadd.s32 $0xFFFFFEB8  }
0x30: {  	[tilespmem:s5], [sflag:$0x3] =	stream.linear.gather [hbm4b:s13+s5], $0x5000, $0x38;
	[tilespmem:$0x1C8C8] =	vst v63  }
0x31: {  	_ =	swait.ge [sflag:s20], $0x5000  }
0x32: {  	[sflag:s20] =	ssyncset.done $0x0  }
0x33: {  	s22 =	simm.s32 $0x5000;
	[sflag:s20] =	ssyncadd.s32 $0xFFFFB000  }
0x34: {  	[tilespmem:s22], [sflag:$0x3] =	stream.linear.gather [hbm4b:s14+s5], $0x5000, $0x38;
	[tilespmem:$0x1C8C8] =	vst v63  }
0x35: {  	_ =	swait.ge [sflag:s20], $0x5000  }
0x36: {  	[sflag:s20] =	ssyncset.done $0x0  }
0x37: {  	[sflag:s20] =	ssyncadd.s32 $0xFFFFB000  }
0x38: {  	[tilespmem:s23], [sflag:$0x3] =	stream.linear.gather [hbm4b:s8+s5], $0x80, $0x38;
	[tilespmem:$0x1C8C8] =	vst v63  }
0x39: {  	_ =	swait.ge [sflag:s20], $0x80  }
0x3a: {  	[sflag:s20] =	ssyncset.done $0x0  }
0x3b: {  	s22 =	simm.s32 $0x0;
	[sflag:s20] =	ssyncadd.s32 $0xFFFFFF80  }
0x3c: {  	v9 =	vld [tilespmem:s22+$0x5000]  }
0x3d: {  	v14 =	vld [tilespmem:s22+$0x5010]  }
0x3e: {  	v13 =	vld [tilespmem:s22+$0x5020]  }
0x3f: {  	v12 =	vld [tilespmem:s22+$0x5030]  }
0x40: {  	v11 =	vld [tilespmem:s22+$0x5040]  }
0x41: {  	v10 =	vld [tilespmem:s22+$0x5050];
	v15 =	vsub.s32 v9, v0  }
0x42: {  	s0 =	simm.s32 $0x200;
	v14 =	vsub.s32 v14, v0;
	v9 =	vld [tilespmem:s22+$0x5060];
	vm0 =	vlt.u32 v15, $0x1400  }
.LBB2_2:
0x43: {  	p0 =	sne.s32 s0, $0x13E00;
	v15 =	vsel vm0, v15, v1;
	vm0 =	vlt.u32 v14, $0x1400;
	v13 =	vsub.s32 v13, v0;
	v16 =	vld [tilespmem:s22+$0x5070]  }
0x44: {  	s7 =	sshra.s32 s0, $0x2;
	[tilespmem:s22+$0x5000] =	vst v15;
	v14 =	vsel vm0, v14, v2;
	vm0 =	vlt.u32 v13, $0x1400;
	v12 =	vsub.s32 v12, v0  }
0x45: {  	v15 =	vld [tilespmem:s7+$0x5000];
	[tilespmem:s22+$0x5010] =	vst v14;
	v13 =	vsel vm0, v13, v3;
	vm0 =	vlt.u32 v12, $0x1400;
	v11 =	vsub.s32 v11, v0  }
0x46: {  	v14 =	vld [tilespmem:s7+$0x5010];
	[tilespmem:s22+$0x5020] =	vst v13;
	v12 =	vsel vm0, v12, v4;
	vm0 =	vlt.u32 v11, $0x1400;
	v10 =	vsub.s32 v10, v0  }
.Ltmp0:
0x47: {  	v13 =	vld [tilespmem:s7+$0x5020];
	[tilespmem:s22+$0x5030] =	vst v12;
	v11 =	vsel vm0, v11, v5;
	vm0 =	vlt.u32 v10, $0x1400;
	v9 =	vsub.s32 v9, v0;
	(pc) =	sbr.rel @p0 .LBB2_2-.Ltmp0, $4  }
0x48: {  	v12 =	vld [tilespmem:s7+$0x5030];
	[tilespmem:s22+$0x5040] =	vst v11;
	v10 =	vsel vm0, v10, v6;
	vm0 =	vlt.u32 v9, $0x1400;
	v16 =	vsub.s32 v16, v0  }
0x49: {  	v11 =	vld [tilespmem:s7+$0x5040];
	[tilespmem:s22+$0x5050] =	vst v10;
	v9 =	vsel vm0, v9, v7;
	vm0 =	vlt.u32 v16, $0x1400  }
0x4a: {  	v15 =	vsub.s32 v15, v0;
	v10 =	vld [tilespmem:s7+$0x5050];
	[tilespmem:s22+$0x5060] =	vst v9;
	v16 =	vsel vm0, v16, v8  }
0x4b: {  	s0 =	sadd.s32 $0x200, s0;
	vm0 =	vlt.u32 v15, $0x1400;
	v14 =	vsub.s32 v14, v0;
	v9 =	vld [tilespmem:s7+$0x5060];
	[tilespmem:s22+$0x5070] =	vst v16;
	s22 =	smov.u32 s7  }
0x4c: {  	v15 =	vsel vm0, v15, v1;
	vm9 =	vlt.u32 v14, $0x1400;
	v13 =	vsub.s32 v13, v0;
	v16 =	vld [tilespmem:s22+$0x5070]  }
0x4d: {  	[tilespmem:s22+$0x5000] =	vst v15;
	v14 =	vsel vm9, v14, v2;
	vm10 =	vlt.u32 v13, $0x1400;
	v12 =	vsub.s32 v12, v0  }
0x4e: {  	[tilespmem:s22+$0x5010] =	vst v14;
	v13 =	vsel vm10, v13, v3;
	vm11 =	vlt.u32 v12, $0x1400;
	v11 =	vsub.s32 v11, v0  }
0x4f: {  	[tilespmem:s22+$0x5020] =	vst v13;
	v12 =	vsel vm11, v12, v4;
	vm12 =	vlt.u32 v11, $0x1400;
	v10 =	vsub.s32 v10, v0  }
0x50: {  	[tilespmem:s22+$0x5030] =	vst v12;
	v11 =	vsel vm12, v11, v5;
	vm13 =	vlt.u32 v10, $0x1400;
	v9 =	vsub.s32 v9, v0  }
0x51: {  	[tilespmem:s22+$0x5040] =	vst v11;
	v10 =	vsel vm13, v10, v6;
	vm14 =	vlt.u32 v9, $0x1400;
	v11 =	vsub.s32 v16, v0  }
0x52: {  	[tilespmem:s22+$0x5050] =	vst v10;
	v9 =	vsel vm14, v9, v7;
	vm15 =	vlt.u32 v11, $0x1400  }
0x53: {  	[tilespmem:s22+$0x5060] =	vst v9;
	v9 =	vsel vm15, v11, v8  }
0x54: {  	[tilespmem:s22+$0x5070] =	vst v9  }
0x55: {  	s0 =	simm.s32 $0x0;
	[bflag:$0x0] =	sbarrier.arrive $0xFFFF  }
0x56: {  	[tilespmem:s19], [sflag:$0x1] =	stream.indirect.gather [hbm4b:s6+s24], $0x80, s0, s24, $0xb8;
	[tilespmem:$0x1C8C8] =	vst v63  }
0x57: {  	_ = 	snop  }
0x58: {  	[tilespmem:s26], [sflag:$0x1] =	stream.indirect.gather [hbm4b:s6+s24], $0x80, s24, s24, $0xb8;
	[tilespmem:$0x1C8C8] =	vst v63  }
0x59: {  	_ =	swait.ge [sflag:s28], $0x4000  }
0x5a: {  	[sflag:s28] =	ssyncset.done $0x0  }
0x5b: {  	s22 =	simm.s32 $0x5000;
	[sflag:s28] =	ssyncadd.s32 $0xFFFFC000  }
0x5c: {  	[spmem:s3] =	stream.indirect.scatter.add.f32 [tilespmem:s19], [sflag:$0x3], $0x80, s22, s24, $0xb8;
	[tilespmem:$0x1C8C8] =	vst v63  }
0x5d: {  	_ =	swait.ge [sflag:s20], $0x4000  }
0x5e: {  	[sflag:s20] =	ssyncset.done $0x0  }
0x5f: {  	[sflag:s20] =	ssyncadd.s32 $0xFFFFC000  }
0x60: {  	[spmem:s4] =	stream.indirect.scatter.add.f32 [tilespmem:s23], [sflag:$0x2], $0x1, s22, s24, $0xb8;
	[tilespmem:$0x1C8C8] =	vst v63  }
0x61: {  	s7 =	simm.s32 $0x100  }
0x62: {  	[tilespmem:s19], [sflag:$0x1] =	stream.indirect.gather [hbm4b:s6+s24], $0x80, s7, s24, $0xb8;
	[tilespmem:$0x1C8C8] =	vst v63  }
0x63: {  	_ =	swait.ge [sflag:s28], $0x4000  }
0x64: {  	[sflag:s28] =	ssyncset.done $0x0  }
0x65: {  	s22 =	simm.s32 $0x5080;
	[sflag:s28] =	ssyncadd.s32 $0xFFFFC000  }
0x66: {  	[spmem:s3] =	stream.indirect.scatter.add.f32 [tilespmem:s26], [sflag:$0x3], $0x80, s22, s24, $0xb8;
	[tilespmem:$0x1C8C8] =	vst v63  }
0x67: {  	_ =	swait.ge [sflag:s20], $0x4000  }
0x68: {  	[sflag:s20] =	ssyncset.done $0x0  }
0x69: {  	[sflag:s20] =	ssyncadd.s32 $0xFFFFC000  }
0x6a: {  	[spmem:s4] =	stream.indirect.scatter.add.f32 [tilespmem:s23], [sflag:$0x2], $0x1, s22, s24, $0xb8;
	[tilespmem:$0x1C8C8] =	vst v63  }
0x6b: {  	s0 =	simm.s32 $0x400;
	s22 =	simm.s32 $0x180  }
.LBB2_4:
0x6c: {  	[tilespmem:s26], [sflag:$0x1] =	stream.indirect.gather [hbm4b:s6+s24], $0x80, s22, s24, $0xb8;
	[tilespmem:$0x1C8C8] =	vst v63  }
0x6d: {  	s7 =	smov.u32 s0  }
0x6e: {  	p0 =	sne.s32 s0, $0x13800;
	s0 =	sadd.s32 $0x400, s0;
	_ =	swait.ge [sflag:s28], $0x4000  }
0x6f: {  	s7 =	sshra.s32 s7, $0x2;
	[sflag:s28] =	ssyncset.done $0x0  }
0x70: {  	s22 =	sadd.s32 $0x5000, s7;
	[sflag:s28] =	ssyncadd.s32 $0xFFFFC000  }
0x71: {  	[spmem:s3] =	stream.indirect.scatter.add.f32 [tilespmem:s19], [sflag:$0x3], $0x80, s22, s24, $0xb8;
	[tilespmem:$0x1C8C8] =	vst v63  }
0x72: {  	_ =	swait.ge [sflag:s20], $0x4000  }
0x73: {  	[sflag:s20] =	ssyncset.done $0x0  }
0x74: {  	[sflag:s20] =	ssyncadd.s32 $0xFFFFC000  }
0x75: {  	[spmem:s4] =	stream.indirect.scatter.add.f32 [tilespmem:s23], [sflag:$0x2], $0x1, s22, s24, $0xb8;
	[tilespmem:$0x1C8C8] =	vst v63  }
0x76: {  	s22 =	sadd.s32 $0x100, s7  }
0x77: {  	[tilespmem:s19], [sflag:$0x1] =	stream.indirect.gather [hbm4b:s6+s24], $0x80, s22, s24, $0xb8;
	[tilespmem:$0x1C8C8] =	vst v63  }
0x78: {  	_ =	swait.ge [sflag:s28], $0x4000  }
0x79: {  	[sflag:s28] =	ssyncset.done $0x0  }
0x7a: {  	s22 =	sadd.s32 $0x5080, s7;
	[sflag:s28] =	ssyncadd.s32 $0xFFFFC000  }
0x7b: {  	[spmem:s3] =	stream.indirect.scatter.add.f32 [tilespmem:s26], [sflag:$0x3], $0x80, s22, s24, $0xb8;
	[tilespmem:$0x1C8C8] =	vst v63  }
.Ltmp1:
0x7c: {  	_ =	swait.ge [sflag:s20], $0x4000;
	(pc) =	sbr.rel @p0 .LBB2_4-.Ltmp1, $4  }
0x7d: {  	[sflag:s20] =	ssyncset.done $0x0  }
0x7e: {  	[sflag:s20] =	ssyncadd.s32 $0xFFFFC000  }
0x7f: {  	[spmem:s4] =	stream.indirect.scatter.add.f32 [tilespmem:s23], [sflag:$0x2], $0x1, s22, s24, $0xb8;
	[tilespmem:$0x1C8C8] =	vst v63  }
0x80: {  	s22 =	sadd.s32 $0x180, s7  }
0x81: {  	[tilespmem:s26], [sflag:$0x1] =	stream.indirect.gather [hbm4b:s6+s24], $0x80, s22, s24, $0xb8;
	[tilespmem:$0x1C8C8] =	vst v63  }
0x82: {  	_ =	swait.ge [sflag:s28], $0x4000  }
0x83: {  	[sflag:s28] =	ssyncset.done $0x0  }
0x84: {  	[sflag:s28] =	ssyncadd.s32 $0xFFFFC000  }
0x85: {  	[spmem:s3] =	stream.indirect.scatter.add.f32 [tilespmem:s19], [sflag:$0x3], $0x80, s29, s24, $0xb8;
	[tilespmem:$0x1C8C8] =	vst v63  }
0x86: {  	_ =	swait.ge [sflag:s20], $0x4000  }
0x87: {  	[sflag:s20] =	ssyncset.done $0x0  }
0x88: {  	[sflag:s20] =	ssyncadd.s32 $0xFFFFC000  }
0x89: {  	[spmem:s4] =	stream.indirect.scatter.add.f32 [tilespmem:s23], [sflag:$0x2], $0x1, s29, s24, $0xb8;
	[tilespmem:$0x1C8C8] =	vst v63  }
0x8a: {  	_ =	swait.ge [sflag:s28], $0x4000  }
0x8b: {  	[sflag:s28] =	ssyncset.done $0x0  }
0x8c: {  	[sflag:s28] =	ssyncadd.s32 $0xFFFFC000  }
0x8d: {  	[spmem:s3] =	stream.indirect.scatter.add.f32 [tilespmem:s26], [sflag:$0x3], $0x80, s30, s24, $0xb8;
	[tilespmem:$0x1C8C8] =	vst v63  }
0x8e: {  	_ =	swait.ge [sflag:s20], $0x4000  }
0x8f: {  	[sflag:s20] =	ssyncset.done $0x0  }
0x90: {  	[sflag:s20] =	ssyncadd.s32 $0xFFFFC000  }
0x91: {  	[spmem:s4] =	stream.indirect.scatter.add.f32 [tilespmem:s23], [sflag:$0x2], $0x1, s30, s24, $0xb8;
	[tilespmem:$0x1C8C8] =	vst v63  }
0x92: {  	_ =	swait.ge [sflag:s31], $0x80  }
0x93: {  	s0 =	simm.s32 $0x9F;
	[sflag:s31] =	ssyncset.done $0x0  }
.LBB2_6:
0x94: {  	p0 =	sne.s32 s0, $0x1;
	s0 =	sadd.s32 $0xFFFFFFFF, s0;
	[sflag:s31] =	ssyncadd.s32 $0xFFFFFF80  }
.Ltmp2:
0x95: {  	(pc) =	sbr.rel @p0 .LBB2_6-.Ltmp2, $3  }
0x96: {  	_ =	sdelay $0x1  }
0x97: {  	_ =	swait.ge [sflag:s31], $0x80  }
0x98: {  	[sflag:s31] =	ssyncset.done $0x0  }
0x99: {  	s0 =	stileid.u32  }
0x9a: {  	[sflag:s31] =	ssyncadd.s32 $0xFFFFFF80;
	s0 =	sshll.u32 s0, $0x6  }
0x9b: {  	[bflag:$0x0] =	sbarrier.arrive $0xFFFF;
	s0 =	sor.u32 $0x1C03, s0  }
0x9c: {  	[hbm:s15], [sflag:s0] =	dma.local [spmem:s25], $0x1400  }
0x9d: {  	_ =	swait.ge [sflag:s20], $0x1400  }
0x9e: {  	[sflag:s20] =	ssyncset.done $0x0  }
0x9f: {  	[sflag:s20] =	ssyncadd.s32 $0xFFFFEC00  }
0xa0: {  	[tilespmem:s2], [sflag:$0x3] =	stream.linear.gather [spmem:s16], $0x140, $0x38;
	[tilespmem:$0x1C8C8] =	vst v63  }
0xa1: {  	s1 =	sadd.s32 $0x1, s1;
	_ =	swait.ge [sflag:s20], $0x140  }
0xa2: {  	p0 =	sne.s32 s1, s18;
	[sflag:s20] =	ssyncset.done $0x0  }
.Ltmp3:
0xa3: {  	[sflag:s20] =	ssyncadd.s32 $0xFFFFFEC0;
	(pc) =	sbr.rel @p0 .LBB2_1-.Ltmp3, $4  }
0xa4: {  	[hbm4b:s17+s5] =	stream.linear.scatter [tilespmem:s2], [sflag:$0x3], $0x140, $0x38;
	[tilespmem:$0x1C8C8] =	vst v63  }
0xa5: {  	_ =	swait.ge [sflag:s20], $0x140  }
0xa6: {  	[sflag:s20] =	ssyncset.done $0x0  }
0xa7: {  	[sflag:s20] =	ssyncadd.s32 $0xFFFFFEC0  }
0xa8: {  	_ =	sfence.sel $0x180000  }
0xa9: {  	[bflag:$0x0] =	sbarrier.arrive $0xFFFF  }
0xaa: {  	_ =	strace $0x90000047  }
0xab: {  	s0 =	stileid.u32;
	[bflag:$0x2] =	sbarrier.arrive $0xFFFF  }
0xac: {  	p0 =	sne.s32 s0, $0x0;
	s0 =	rddreg [dreg:$0x4]  }
0xad: {  	s0 =	sadd.s32 @!p0 $0x100000, s0  }
0xae: {  	[sflag:s0] =	ssyncadd.tile.s32 @!p0 $0x1;
	_ =	shalt  }
.Lfunc_end2:
_tile_overlayer_lowered:
.L_overlay_start_2:
0xaf: {  	(tag) =	ssettag $0x2  }
0xb0: {  	s0 =	rddreg [dreg:$0x0];
	s2 =	stileid.u32  }
0xb1: {  	s1 =	rddreg [dreg:$0x1];
	p0 =	sne.s32 s2, $0x0  }
0xb2: {  	s3 =	rddreg [dreg:$0x2];
	[bflag:$0x3] =	sbarrier.arrive $0xFFFF;
	s2 =	simm.s32 @!p0 $0x1C03  }
0xb3: {  	[timem:s3], [sflag:s2] =	dma.local @!p0 [hbm:s0], s1  }
0xb4: {  	s0 =	simm.s32 @!p0 $0x3  }
0xb5: {  	_ =	swait.ge @!p0 [sflag:s0], s1  }
0xb6: {  	s1 =	ssub.s32 @!p0 $0x0, s1;
	[sflag:s0] =	ssyncset.done @!p0 $0x0  }
0xb7: {  	[sflag:s0] =	ssyncadd.s32 @!p0 s1  }
0xb8: {  	[bflag:$0x3] =	sbarrier.arrive $0xFFFF  }
0xb9: {  	_ =	shalt  }

</sc_bundles>
